<compile_context>
chip_gen: v7x
topology: tpu7x:2x2x1
jax: 0.10.2.dev20260603
libtpu: 0.0.44.dev20260713+nightly
codegen_flags: <defaults>
</compile_context>

<pallas_src>
import functools

import jax
import jax.numpy as jnp
import numpy as np
from jax import lax
from jax.experimental import pallas as pl
from jax.experimental.pallas import tpu as pltpu
from jax.experimental.pallas import tpu_sc as plsc

B, D, T, S, NG, P = 16, 2, 8, 64, 6, 8
NS = B * (D * T * S + S + P * S)
NGN = B * (D * T * NG + NG + P * NG)
N = NS + NGN
E = 262144
EMBD = 128
GSTATE = 64
NFREQ = 10
DPOS = 3 * (1 + 2 * NFREQ)

BLK = 1024
N_PAD = 28672
NBLK = N_PAD // BLK
NSBLK = NS // BLK
G_PAD = N_PAD - NS

NCORE, NSUB = 2, 16
N_SC = 28032
RPT = N_SC // NSUB
CH = 128
EROWS = E // CH
ER_PER_TILE = EROWS // NSUB
BATCH_R = 8
NBATCH = ER_PER_TILE // BATCH_R
NRING = 2
DEG_HI = 224


def _np_pos_enc(x):
    freqs = 2.0 ** np.arange(NFREQ)
    xf = x[:, :, None] * freqs
    enc = np.concatenate([np.sin(xf), np.cos(xf)], axis=-1)
    enc = enc.reshape(x.shape[0], 3 * 2 * NFREQ)
    return np.concatenate([x, enc], axis=-1).astype(np.float32)


def _static_gripper():
    node1 = np.broadcast_to(np.arange(NG)[None, None, None, :], (B, D, T, NG)).reshape(-1)
    node2 = np.broadcast_to(np.arange(NG)[None, :], (B, NG)).reshape(-1)
    node3 = np.broadcast_to(np.arange(NG)[None, None, :], (B, P, NG)).reshape(-1)
    t_act = np.broadcast_to(np.arange(P)[None, :, None], (B, P, NG)).reshape(-1)
    gripper_node = np.concatenate([node1, node2, node3])
    embd_idx = np.concatenate([node1, node2, node3 + NG * t_act])
    gnp_pos = np.array([[0.0, 0.0, 0.0], [0.0, 0.0, -0.03], [0.0, 0.03, 0.0],
                        [0.0, -0.03, 0.0], [0.0, 0.03, 0.03], [0.0, -0.03, 0.03]],
                       dtype=np.float32) * 2.0
    pe_g = _np_pos_enc(gnp_pos[gripper_node])
    pe_g_pad = np.zeros((G_PAD, 64), np.float32)
    pe_g_pad[:NGN, :DPOS] = pe_g
    onehot = np.zeros((G_PAD, 64), np.float32)
    onehot[np.arange(NGN), embd_idx] = 1.0
    return pe_g_pad, onehot


_PE_G_PAD, _ONEHOT_PAD = _static_gripper()
_FREQS = (2.0 ** np.arange(NFREQ, dtype=np.float32)).reshape(1, NFREQ)


def _pe_scene(pos):
    colb = lax.broadcasted_iota(jnp.int32, (BLK, 64), 1)
    cm3 = colb - 3
    istrig = (colb >= 3) & (colb < 63)
    iscos = istrig & (lax.rem(cm3, 20) >= 10)
    coord = jnp.clip(jnp.where(colb < 3, colb, cm3 // 20), 0, 2)
    k10 = lax.rem(lax.rem(cm3 + 20, 20), 10)
    freq = jnp.exp2(k10.astype(jnp.float32))
    val = jnp.where(coord == 0, pos[:, 0:1],
                    jnp.where(coord == 1, pos[:, 1:2], pos[:, 2:3]))
    ang = val * jnp.where(istrig, freq, jnp.float32(1.0))
    shifted = ang + jnp.where(iscos, jnp.float32(np.pi / 2), jnp.float32(0))
    pe = jnp.where(istrig, jnp.sin(shifted), ang)
    return jnp.where(colb >= 63, jnp.float32(0.0), pe)


def _gemb_gst(oh_ref, tbl_ref, gw_ref, wg_ref, bg_ref):
    gemb = jnp.dot(oh_ref[...], tbl_ref[...], preferred_element_type=jnp.float32)
    gst = gw_ref[...] * wg_ref[0:1, :] + bg_ref[0:1, :]
    return jnp.concatenate([gemb, gst], axis=1)


def _feat_body(pos_ref, gw_ref, peg_ref, oh_ref, ws_ref, wes_ref, wed_ref,
               wg_ref, bg_ref, tbl_ref, xf_ref, cc_ref, bd_ref):
    k = pl.program_id(0)

    @pl.when(k < NSBLK)
    def _scene():
        pe = _pe_scene(pos_ref[...])
        x = jnp.dot(pe, ws_ref[...], preferred_element_type=jnp.float32)
        a = jnp.dot(pe, wes_ref[...], preferred_element_type=jnp.float32)
        xf_ref[...] = x
        cc_ref[...] = x + a
        bd_ref[...] = jnp.dot(pe, wed_ref[...], preferred_element_type=jnp.float32)

    @pl.when(k >= NSBLK)
    def _grip():
        peg = peg_ref[...]
        x = _gemb_gst(oh_ref, tbl_ref, gw_ref, wg_ref, bg_ref)
        a = jnp.dot(peg, wes_ref[...], preferred_element_type=jnp.float32)
        xf_ref[...] = x
        cc_ref[...] = x + a
        bd_ref[...] = jnp.dot(peg, wed_ref[...], preferred_element_type=jnp.float32)


_SCENE_IX = lambda k: (jnp.minimum(k, NSBLK - 1), 0)
_GRIP_IX = lambda k: (jnp.maximum(k - NSBLK, 0), 0)
_FULL_IX = lambda k: (0, 0)
_COMMON_SPECS = [
    pl.BlockSpec((BLK, 3), _SCENE_IX),
    pl.BlockSpec((BLK, 1), _GRIP_IX),
    pl.BlockSpec((BLK, 64), _GRIP_IX),
    pl.BlockSpec((BLK, 64), _GRIP_IX),
]
_W_SPECS = [
    pl.BlockSpec((8, 64), _FULL_IX),
    pl.BlockSpec((8, 64), _FULL_IX),
    pl.BlockSpec((64, 64), _FULL_IX),
]


def _features(scene_pos, gw_pad, ws_pad, wes_pad, wed_pad, wg_pad, bg_pad, tbl_pad):
    f32 = jnp.float32
    return pl.pallas_call(
        _feat_body,
        grid=(NBLK,),
        in_specs=(_COMMON_SPECS
                  + [pl.BlockSpec((64, 128), _FULL_IX),
                     pl.BlockSpec((64, 128), _FULL_IX),
                     pl.BlockSpec((64, 128), _FULL_IX)] + _W_SPECS),
        out_specs=[
            pl.BlockSpec((BLK, 128), lambda k: (k, 0)),
            pl.BlockSpec((BLK, 128), lambda k: (k, 0)),
            pl.BlockSpec((BLK, 128), lambda k: (k, 0)),
        ],
        out_shape=[
            jax.ShapeDtypeStruct((N_PAD, 128), f32),
            jax.ShapeDtypeStruct((N_PAD, 128), f32),
            jax.ShapeDtypeStruct((N_PAD, 128), f32),
        ],
    )(scene_pos, gw_pad, _PE_G_PAD, _ONEHOT_PAD, ws_pad, wes_pad, wed_pad,
      wg_pad, bg_pad, tbl_pad)


def _sc_body(zeros_h, esrc0, esrc1, edst, c2, acc0_o, acc1_o,
             acc_sh, sidxb, didxb, rows0, rows1,
             sem0, sem1, ssem0, ssem1):
    cid = lax.axis_index("c")
    sid = lax.axis_index("s")
    rb = sid * RPT

    pltpu.sync_copy(zeros_h, rows0)
    for z in range(RPT // CH):
        pltpu.sync_copy(rows0, acc_sh.at[pl.ds(rb + z * CH, CH)])
    rem = RPT % CH
    if rem:
        pltpu.sync_copy(rows0.at[pl.ds(0, rem)],
                        acc_sh.at[pl.ds(rb + (RPT // CH) * CH, rem)])

    plsc.subcore_barrier()

    rows = (rows0, rows1)
    sems = (sem0, sem1)
    ssems = (ssem0, ssem1)

    def make_batch(esrc):
        def batch(b, carry):
            base = sid * ER_PER_TILE + b * BATCH_R
            pltpu.sync_copy(esrc.at[pl.ds(base, BATCH_R)], sidxb)
            pltpu.sync_copy(edst.at[pl.ds(base, BATCH_R)], didxb)
            gd = {}
            sd = {}
            for t in range(NRING - 1):
                gd[t] = pltpu.async_copy(c2.at[sidxb.at[t]],
                                         rows[t], sems[t])
            for t in range(BATCH_R):
                slot = t % NRING
                nt = t + NRING - 1
                if nt < BATCH_R:
                    sprev = sd.get(t - 1)
                    if sprev is not None:
                        sprev.wait()
                    gd[nt] = pltpu.async_copy(c2.at[sidxb.at[nt]],
                                              rows[nt % NRING], sems[nt % NRING])
                gd[t].wait()
                sd[t] = pltpu.async_copy(rows[slot], acc_sh.at[didxb.at[t]],
                                         ssems[slot], add=True)
            for t in range(BATCH_R - NRING, BATCH_R):
                sd[t].wait()
            return carry
        return batch

    @pl.when(cid == 0)
    def _edges0():
        lax.fori_loop(0, NBATCH, make_batch(esrc0), 0)

    @pl.when(cid == 1)
    def _edges1():
        lax.fori_loop(0, NBATCH, make_batch(esrc1), 0)

    plsc.subcore_barrier()

    @pl.when(cid == 0)
    def _out0():
        pltpu.sync_copy(acc_sh.at[pl.ds(rb, RPT)], acc0_o.at[pl.ds(rb, RPT)])

    @pl.when(cid == 1)
    def _out1():
        pltpu.sync_copy(acc_sh.at[pl.ds(rb, RPT)], acc1_o.at[pl.ds(rb, RPT)])


def _edge_scatter(zeros_h, esrc0, esrc1, edst, c2):
    f32 = jnp.float32
    i32 = jnp.int32
    mesh = plsc.VectorSubcoreMesh(core_axis_name="c", subcore_axis_name="s",
                                  num_cores=NCORE, num_subcores=NSUB)
    fn = pl.kernel(
        _sc_body,
        out_type=[
            jax.ShapeDtypeStruct((N_SC, 64), f32),
            jax.ShapeDtypeStruct((N_SC, 64), f32),
        ],
        mesh=mesh,
        scratch_types=[
            pltpu.VMEM_SHARED((N_SC, 64), f32),
            pltpu.VMEM((BATCH_R, CH), i32),
            pltpu.VMEM((BATCH_R, CH), i32),
            pltpu.VMEM((CH, 64), f32),
            pltpu.VMEM((CH, 64), f32),
            pltpu.SemaphoreType.DMA,
            pltpu.SemaphoreType.DMA,
            pltpu.SemaphoreType.DMA,
            pltpu.SemaphoreType.DMA,
        ],
        compiler_params=pltpu.CompilerParams(needs_layout_passes=False,
                                             use_tc_tiling_on_sc=False),
    )
    return fn(zeros_h, esrc0, esrc1, edst, c2)


DEG_BLK = 4096


def _deg_body(drow_ref, o_ref):
    k = pl.program_id(0)
    d = drow_ref[...].reshape(1, DEG_BLK)
    hi_row = lax.shift_right_logical(d, 7)
    lo_row = lax.bitwise_and(d, 127)
    a = (lax.broadcasted_iota(jnp.int32, (DEG_HI, DEG_BLK), 0)
         == hi_row).astype(jnp.bfloat16)
    bt = (lax.broadcasted_iota(jnp.int32, (128, DEG_BLK), 0)
          == lo_row).astype(jnp.bfloat16)
    contrib = lax.dot_general(a, bt, (((1,), (1,)), ((), ())),
                              preferred_element_type=jnp.float32)

    @pl.when(k == 0)
    def _init():
        o_ref[...] = contrib

    @pl.when(k > 0)
    def _acc():
        o_ref[...] += contrib


def _degree(edst_row):
    return pl.pallas_call(
        _deg_body,
        grid=(E // DEG_BLK,),
        in_specs=[
            pl.BlockSpec((1, 1, DEG_BLK), lambda k: (k, 0, 0)),
        ],
        out_specs=pl.BlockSpec((DEG_HI, 128), lambda k: (0, 0)),
        out_shape=jax.ShapeDtypeStruct((DEG_HI, 128), jnp.float32),
    )(edst_row)


def _comb_body(a0_ref, a1_ref, xf_ref, bd_ref, dg_ref, o_ref):
    o_ref[...] = (jnp.concatenate([a0_ref[...], a1_ref[...]], axis=1)
                  + xf_ref[...] + dg_ref[...] * bd_ref[...])


def _combine(acc0, acc1, xf, bd, deg_col):
    return pl.pallas_call(
        _comb_body,
        grid=(NSUB,),
        in_specs=[
            pl.BlockSpec((RPT, 64), lambda k: (k, 0)),
            pl.BlockSpec((RPT, 64), lambda k: (k, 0)),
            pl.BlockSpec((RPT, 128), lambda k: (k, 0)),
            pl.BlockSpec((RPT, 128), lambda k: (k, 0)),
            pl.BlockSpec((RPT, 1), lambda k: (k, 0)),
        ],
        out_specs=pl.BlockSpec((RPT, 128), lambda k: (k, 0)),
        out_shape=jax.ShapeDtypeStruct((N, 128), jnp.float32),
    )(acc0, acc1, xf, bd, deg_col)


def kernel(scene_pos, gripper_width, edge_index, W_scene, W_grip, b_grip,
           gripper_table, W_edge):
    f32 = jnp.float32
    ws_pad = jnp.zeros((64, 128), f32).at[:DPOS].set(W_scene.astype(f32))
    wes_pad = jnp.zeros((64, 128), f32).at[:DPOS].set(W_edge[:DPOS].astype(f32))
    wed_pad = jnp.zeros((64, 128), f32).at[:DPOS].set(W_edge[DPOS:2 * DPOS].astype(f32))
    wg_pad = jnp.zeros((8, 64), f32).at[0:1].set(W_grip.astype(f32))
    bg_pad = jnp.zeros((8, 64), f32).at[0].set(b_grip.astype(f32))
    tbl_pad = jnp.zeros((64, 64), f32).at[:NG * (P + 1)].set(gripper_table.astype(f32))
    gw_pad = jnp.zeros((G_PAD, 1), f32).at[:NGN].set(gripper_width.astype(f32))

    xf, cc, bd = _features(scene_pos.astype(f32), gw_pad, ws_pad, wes_pad,
                           wed_pad, wg_pad, bg_pad, tbl_pad)

    ei = edge_index.astype(jnp.int32)
    esrc = ei[0]
    esrc0 = (esrc * 2).reshape(EROWS, CH)
    esrc1 = (esrc * 2 + 1).reshape(EROWS, CH)
    edst = ei[1].reshape(EROWS, CH)
    c2 = cc.reshape(2 * N_PAD, 64)
    zeros_h = jnp.zeros((CH, 64), f32)
    acc0, acc1 = _edge_scatter(zeros_h, esrc0, esrc1, edst, c2)

    deg = _degree(ei[1].reshape(E // DEG_BLK, 1, DEG_BLK))
    deg_col = deg.reshape(-1)[:N_SC].reshape(N_SC, 1)
    return _combine(acc0, acc1, xf, bd, deg_col)

# --- scband reference (transcript-rebuilt; emitter-appended) ---
"""Pipeline reference for scband-graph-rep-5050881540825 (READ-ONLY COPY).

The authoritative reference and input builder live on the scoring server;
editing this copy changes nothing except your own understanding.
"""

import jax, jax.numpy as jnp
import numpy as np

B, D, T, S, NG, P = 16, 2, 8, 64, 6, 8
NS = B * (D * T * S + S + P * S)      # 25600 scene nodes
NGN = B * (D * T * NG + NG + P * NG)  # 2400 gripper nodes
N = NS + NGN                          # 28000 total nodes
E = 262144
EMBD = 128
GSTATE = 64
NFREQ = 10
DPOS = 3 * (1 + 2 * NFREQ)            # 63, PositionalEncoder output (add_original_x)


def pos_enc(x):
    # PositionalEncoder: log-spaced freqs 2**i, add_original_x=True, scale=1.0
    freqs = 2.0 ** jnp.arange(NFREQ, dtype=jnp.float32)
    xf = x[..., None] * freqs
    enc = jnp.concatenate([jnp.sin(xf), jnp.cos(xf)], axis=-1)
    enc = enc.reshape(x.shape[:-1] + (3 * 2 * NFREQ,))
    return jnp.concatenate([x, enc], axis=-1)


def setup_inputs(seed: int = 0):
    key = jax.random.key(seed)
    ks = jax.random.split(key, 8)
    scene_pos = jax.random.normal(ks[0], (NS, 3), dtype=jnp.float32)
    gripper_width = jax.random.uniform(ks[1], (NGN, 1), dtype=jnp.float32)
    edge_index = jax.random.randint(ks[2], (2, E), 0, N)
    W_scene = jax.random.normal(ks[3], (DPOS, EMBD), dtype=jnp.float32) * 0.05
    W_grip = jax.random.normal(ks[4], (1, GSTATE), dtype=jnp.float32) * 0.05
    b_grip = jnp.zeros((GSTATE,), dtype=jnp.float32)
    gripper_table = jax.random.normal(ks[5], (NG * (P + 1), EMBD - GSTATE), dtype=jnp.float32) * 0.05
    W_edge = jax.random.normal(ks[6], (2 * DPOS, EMBD), dtype=jnp.float32) * 0.05
    return {"scene_pos": scene_pos, "gripper_width": gripper_width, "edge_index": edge_index,
            "W_scene": W_scene, "W_grip": W_grip, "b_grip": b_grip,
            "gripper_table": gripper_table, "W_edge": W_edge}


def reference(scene_pos, gripper_width, edge_index, W_scene, W_grip, b_grip, gripper_table, W_edge):
    gnp_pos = jnp.array([[0.0, 0.0, 0.0], [0.0, 0.0, -0.03], [0.0, 0.03, 0.0],
                         [0.0, -0.03, 0.0], [0.0, 0.03, 0.03], [0.0, -0.03, 0.03]],
                        dtype=jnp.float32) * 2.0
    # gripper node / embedding indices, mirroring get_node_info
    node1 = jnp.broadcast_to(jnp.arange(NG)[None, None, None, :], (B, D, T, NG)).reshape(-1)
    node2 = jnp.broadcast_to(jnp.arange(NG)[None, :], (B, NG)).reshape(-1)
    node3 = jnp.broadcast_to(jnp.arange(NG)[None, None, :], (B, P, NG)).reshape(-1)
    t_act = jnp.broadcast_to(jnp.arange(P)[None, :, None], (B, P, NG)).reshape(-1)
    gripper_node = jnp.concatenate([node1, node2, node3])
    embd_idx = jnp.concatenate([node1, node2, node3 + NG * t_act])
    # node features
    scene_x = pos_enc(scene_pos) @ W_scene                       # [NS, EMBD]
    g_state = gripper_width @ W_grip + b_grip                    # gripper_proj -> [NGN, 64]
    g_emb = jnp.take(gripper_table, embd_idx, axis=0)            # gripper_embds lookup
    gripper_x = jnp.concatenate([g_emb, g_state], axis=-1)       # [NGN, EMBD]
    x = jnp.concatenate([scene_x, gripper_x], axis=0)            # [N, EMBD]
    pos = jnp.concatenate([scene_pos, gnp_pos[gripper_node]], axis=0)  # [N, 3]
    # relational edges: edge_attr = pos_embd(src) || pos_embd(dst) (edge_dim = 2*d_output)
    src = edge_index[0]
    dst = edge_index[1]
    edge_feat = jnp.concatenate([pos_enc(pos[src]), pos_enc(pos[dst])], axis=-1)  # [E, 126]
    msg = jnp.take(x, src, axis=0) + edge_feat @ W_edge
    agg = jax.ops.segment_sum(msg, dst, num_segments=N)
    return x + agg

if __name__ == "__main__":
    import jax
    _d = setup_inputs()
    print(jax.jit(kernel)(*tuple(_d.values())))

</pallas_src>

<mosaic_0001>
#map = affine_map<(d0, d1) -> (0, 0)>
module attributes {stable_mosaic.version = 14 : i64} {
  func.func @_sc_body(%arg0: i32, %arg1: i32, %arg2: memref<128x64xf32, #tpu.memory_space<hbm>>, %arg3: memref<2048x128xi32, #tpu.memory_space<hbm>>, %arg4: memref<2048x128xi32, #tpu.memory_space<hbm>>, %arg5: memref<2048x128xi32, #tpu.memory_space<hbm>>, %arg6: memref<57344x64xf32, #tpu.memory_space<hbm>>, %arg7: memref<28032x64xf32, #tpu.memory_space<hbm>>, %arg8: memref<28032x64xf32, #tpu.memory_space<hbm>>, %arg9: memref<28032x64xf32, #tpu.memory_space<vmem_shared>>, %arg10: memref<8x128xi32, #tpu.memory_space<vmem>>, %arg11: memref<8x128xi32, #tpu.memory_space<vmem>>, %arg12: memref<128x64xf32, #tpu.memory_space<vmem>>, %arg13: memref<128x64xf32, #tpu.memory_space<vmem>>, %arg14: memref<!tpu.dma_semaphore, #tpu.memory_space<semaphore_mem>>, %arg15: memref<!tpu.dma_semaphore, #tpu.memory_space<semaphore_mem>>, %arg16: memref<!tpu.dma_semaphore, #tpu.memory_space<semaphore_mem>>, %arg17: memref<!tpu.dma_semaphore, #tpu.memory_space<semaphore_mem>>) attributes {dimension_semantics = [#tpu.dimension_semantics<core_parallel>, #tpu.dimension_semantics<subcore_parallel>], iteration_bounds = array<i64: 2, 16>, scalar_prefetch = 0 : i64, scratch_operands = 9 : i64, tpu.core_type = #tpu.core_type<sc_vector_subcore>, window_params = [{transform_indices = #map}, {transform_indices = #map}, {transform_indices = #map}, {transform_indices = #map}, {transform_indices = #map}, {transform_indices = #map}, {transform_indices = #map}]} {
    %mul3A = arith.constant 1752 : i32
    %mul3A_0 = arith.muli %arg1, %mul3A : i32
    "tpu.region"() ({
      %run_scoped3A = tpu.sem_alloc : memref<!tpu.dma_semaphore, #tpu.memory_space<semaphore_mem>>
      tpu.enqueue_dma source(%arg2 : memref<128x64xf32, #tpu.memory_space<hbm>>) target(%arg12 : memref<128x64xf32, #tpu.memory_space<vmem>>) target_semaphore(%run_scoped3A : memref<!tpu.dma_semaphore, #tpu.memory_space<semaphore_mem>>)
      tpu.wait_dma2 semaphore(%run_scoped3A : memref<!tpu.dma_semaphore, #tpu.memory_space<semaphore_mem>>) src(%arg2 : memref<128x64xf32, #tpu.memory_space<hbm>>) dst(%arg12 : memref<128x64xf32, #tpu.memory_space<vmem>>)
      tpu.yield
    }) : () -> ()
    %add3A = arith.constant 0 : i32
    %add3A_1 = arith.addi %mul3A_0, %add3A : i32
    "tpu.region"() ({
      %run_scoped3A = tpu.sem_alloc : memref<!tpu.dma_semaphore, #tpu.memory_space<semaphore_mem>>
      %dma_start3A = arith.constant 0 : i32
      %dma_start3A_46 = tpu.memref_slice %arg9[%add3A_1, %dma_start3A] : memref<28032x64xf32, #tpu.memory_space<vmem_shared>> -> memref<128x64xf32, #tpu.memory_space<vmem_shared>>
      %dma_start3A_47 = arith.constant 0 : i32
      %dma_start3A_48 = tpu.memref_slice %arg9[%add3A_1, %dma_start3A_47] : memref<28032x64xf32, #tpu.memory_space<vmem_shared>> -> memref<128x64xf32, #tpu.memory_space<vmem_shared>>
      tpu.enqueue_dma source(%arg12 : memref<128x64xf32, #tpu.memory_space<vmem>>) target(%dma_start3A_48 : memref<128x64xf32, #tpu.memory_space<vmem_shared>>) target_semaphore(%run_scoped3A : memref<!tpu.dma_semaphore, #tpu.memory_space<semaphore_mem>>)
      %dma_wait3A = arith.constant 0 : i32
      %dma_wait3A_49 = tpu.memref_slice %arg9[%add3A_1, %dma_wait3A] : memref<28032x64xf32, #tpu.memory_space<vmem_shared>> -> memref<128x64xf32, #tpu.memory_space<vmem_shared>>
      %dma_wait3A_50 = arith.constant 0 : i32
      %dma_wait3A_51 = tpu.memref_slice %arg9[%add3A_1, %dma_wait3A_50] : memref<28032x64xf32, #tpu.memory_space<vmem_shared>> -> memref<128x64xf32, #tpu.memory_space<vmem_shared>>
      tpu.wait_dma2 semaphore(%run_scoped3A : memref<!tpu.dma_semaphore, #tpu.memory_space<semaphore_mem>>) src(%arg12 : memref<128x64xf32, #tpu.memory_space<vmem>>) dst(%dma_wait3A_51 : memref<128x64xf32, #tpu.memory_space<vmem_shared>>)
      tpu.yield
    }) : () -> ()
    %add3A_2 = arith.constant 128 : i32
    %add3A_3 = arith.addi %mul3A_0, %add3A_2 : i32
    "tpu.region"() ({
      %run_scoped3A = tpu.sem_alloc : memref<!tpu.dma_semaphore, #tpu.memory_space<semaphore_mem>>
      %dma_start3A = arith.constant 0 : i32
      %dma_start3A_46 = tpu.memref_slice %arg9[%add3A_3, %dma_start3A] : memref<28032x64xf32, #tpu.memory_space<vmem_shared>> -> memref<128x64xf32, #tpu.memory_space<vmem_shared>>
      %dma_start3A_47 = arith.constant 0 : i32
      %dma_start3A_48 = tpu.memref_slice %arg9[%add3A_3, %dma_start3A_47] : memref<28032x64xf32, #tpu.memory_space<vmem_shared>> -> memref<128x64xf32, #tpu.memory_space<vmem_shared>>
      tpu.enqueue_dma source(%arg12 : memref<128x64xf32, #tpu.memory_space<vmem>>) target(%dma_start3A_48 : memref<128x64xf32, #tpu.memory_space<vmem_shared>>) target_semaphore(%run_scoped3A : memref<!tpu.dma_semaphore, #tpu.memory_space<semaphore_mem>>)
      %dma_wait3A = arith.constant 0 : i32
      %dma_wait3A_49 = tpu.memref_slice %arg9[%add3A_3, %dma_wait3A] : memref<28032x64xf32, #tpu.memory_space<vmem_shared>> -> memref<128x64xf32, #tpu.memory_space<vmem_shared>>
      %dma_wait3A_50 = arith.constant 0 : i32
      %dma_wait3A_51 = tpu.memref_slice %arg9[%add3A_3, %dma_wait3A_50] : memref<28032x64xf32, #tpu.memory_space<vmem_shared>> -> memref<128x64xf32, #tpu.memory_space<vmem_shared>>
      tpu.wait_dma2 semaphore(%run_scoped3A : memref<!tpu.dma_semaphore, #tpu.memory_space<semaphore_mem>>) src(%arg12 : memref<128x64xf32, #tpu.memory_space<vmem>>) dst(%dma_wait3A_51 : memref<128x64xf32, #tpu.memory_space<vmem_shared>>)
      tpu.yield
    }) : () -> ()
    %add3A_4 = arith.constant 256 : i32
    %add3A_5 = arith.addi %mul3A_0, %add3A_4 : i32
    "tpu.region"() ({
      %run_scoped3A = tpu.sem_alloc : memref<!tpu.dma_semaphore, #tpu.memory_space<semaphore_mem>>
      %dma_start3A = arith.constant 0 : i32
      %dma_start3A_46 = tpu.memref_slice %arg9[%add3A_5, %dma_start3A] : memref<28032x64xf32, #tpu.memory_space<vmem_shared>> -> memref<128x64xf32, #tpu.memory_space<vmem_shared>>
      %dma_start3A_47 = arith.constant 0 : i32
      %dma_start3A_48 = tpu.memref_slice %arg9[%add3A_5, %dma_start3A_47] : memref<28032x64xf32, #tpu.memory_space<vmem_shared>> -> memref<128x64xf32, #tpu.memory_space<vmem_shared>>
      tpu.enqueue_dma source(%arg12 : memref<128x64xf32, #tpu.memory_space<vmem>>) target(%dma_start3A_48 : memref<128x64xf32, #tpu.memory_space<vmem_shared>>) target_semaphore(%run_scoped3A : memref<!tpu.dma_semaphore, #tpu.memory_space<semaphore_mem>>)
      %dma_wait3A = arith.constant 0 : i32
      %dma_wait3A_49 = tpu.memref_slice %arg9[%add3A_5, %dma_wait3A] : memref<28032x64xf32, #tpu.memory_space<vmem_shared>> -> memref<128x64xf32, #tpu.memory_space<vmem_shared>>
      %dma_wait3A_50 = arith.constant 0 : i32
      %dma_wait3A_51 = tpu.memref_slice %arg9[%add3A_5, %dma_wait3A_50] : memref<28032x64xf32, #tpu.memory_space<vmem_shared>> -> memref<128x64xf32, #tpu.memory_space<vmem_shared>>
      tpu.wait_dma2 semaphore(%run_scoped3A : memref<!tpu.dma_semaphore, #tpu.memory_space<semaphore_mem>>) src(%arg12 : memref<128x64xf32, #tpu.memory_space<vmem>>) dst(%dma_wait3A_51 : memref<128x64xf32, #tpu.memory_space<vmem_shared>>)
      tpu.yield
    }) : () -> ()
    %add3A_6 = arith.constant 384 : i32
    %add3A_7 = arith.addi %mul3A_0, %add3A_6 : i32
    "tpu.region"() ({
      %run_scoped3A = tpu.sem_alloc : memref<!tpu.dma_semaphore, #tpu.memory_space<semaphore_mem>>
      %dma_start3A = arith.constant 0 : i32
      %dma_start3A_46 = tpu.memref_slice %arg9[%add3A_7, %dma_start3A] : memref<28032x64xf32, #tpu.memory_space<vmem_shared>> -> memref<128x64xf32, #tpu.memory_space<vmem_shared>>
      %dma_start3A_47 = arith.constant 0 : i32
      %dma_start3A_48 = tpu.memref_slice %arg9[%add3A_7, %dma_start3A_47] : memref<28032x64xf32, #tpu.memory_space<vmem_shared>> -> memref<128x64xf32, #tpu.memory_space<vmem_shared>>
      tpu.enqueue_dma source(%arg12 : memref<128x64xf32, #tpu.memory_space<vmem>>) target(%dma_start3A_48 : memref<128x64xf32, #tpu.memory_space<vmem_shared>>) target_semaphore(%run_scoped3A : memref<!tpu.dma_semaphore, #tpu.memory_space<semaphore_mem>>)
      %dma_wait3A = arith.constant 0 : i32
      %dma_wait3A_49 = tpu.memref_slice %arg9[%add3A_7, %dma_wait3A] : memref<28032x64xf32, #tpu.memory_space<vmem_shared>> -> memref<128x64xf32, #tpu.memory_space<vmem_shared>>
      %dma_wait3A_50 = arith.constant 0 : i32
      %dma_wait3A_51 = tpu.memref_slice %arg9[%add3A_7, %dma_wait3A_50] : memref<28032x64xf32, #tpu.memory_space<vmem_shared>> -> memref<128x64xf32, #tpu.memory_space<vmem_shared>>
      tpu.wait_dma2 semaphore(%run_scoped3A : memref<!tpu.dma_semaphore, #tpu.memory_space<semaphore_mem>>) src(%arg12 : memref<128x64xf32, #tpu.memory_space<vmem>>) dst(%dma_wait3A_51 : memref<128x64xf32, #tpu.memory_space<vmem_shared>>)
      tpu.yield
    }) : () -> ()
    %add3A_8 = arith.constant 512 : i32
    %add3A_9 = arith.addi %mul3A_0, %add3A_8 : i32
    "tpu.region"() ({
      %run_scoped3A = tpu.sem_alloc : memref<!tpu.dma_semaphore, #tpu.memory_space<semaphore_mem>>
      %dma_start3A = arith.constant 0 : i32
      %dma_start3A_46 = tpu.memref_slice %arg9[%add3A_9, %dma_start3A] : memref<28032x64xf32, #tpu.memory_space<vmem_shared>> -> memref<128x64xf32, #tpu.memory_space<vmem_shared>>
      %dma_start3A_47 = arith.constant 0 : i32
      %dma_start3A_48 = tpu.memref_slice %arg9[%add3A_9, %dma_start3A_47] : memref<28032x64xf32, #tpu.memory_space<vmem_shared>> -> memref<128x64xf32, #tpu.memory_space<vmem_shared>>
      tpu.enqueue_dma source(%arg12 : memref<128x64xf32, #tpu.memory_space<vmem>>) target(%dma_start3A_48 : memref<128x64xf32, #tpu.memory_space<vmem_shared>>) target_semaphore(%run_scoped3A : memref<!tpu.dma_semaphore, #tpu.memory_space<semaphore_mem>>)
      %dma_wait3A = arith.constant 0 : i32
      %dma_wait3A_49 = tpu.memref_slice %arg9[%add3A_9, %dma_wait3A] : memref<28032x64xf32, #tpu.memory_space<vmem_shared>> -> memref<128x64xf32, #tpu.memory_space<vmem_shared>>
      %dma_wait3A_50 = arith.constant 0 : i32
      %dma_wait3A_51 = tpu.memref_slice %arg9[%add3A_9, %dma_wait3A_50] : memref<28032x64xf32, #tpu.memory_space<vmem_shared>> -> memref<128x64xf32, #tpu.memory_space<vmem_shared>>
      tpu.wait_dma2 semaphore(%run_scoped3A : memref<!tpu.dma_semaphore, #tpu.memory_space<semaphore_mem>>) src(%arg12 : memref<128x64xf32, #tpu.memory_space<vmem>>) dst(%dma_wait3A_51 : memref<128x64xf32, #tpu.memory_space<vmem_shared>>)
      tpu.yield
    }) : () -> ()
    %add3A_10 = arith.constant 640 : i32
    %add3A_11 = arith.addi %mul3A_0, %add3A_10 : i32
    "tpu.region"() ({
      %run_scoped3A = tpu.sem_alloc : memref<!tpu.dma_semaphore, #tpu.memory_space<semaphore_mem>>
      %dma_start3A = arith.constant 0 : i32
      %dma_start3A_46 = tpu.memref_slice %arg9[%add3A_11, %dma_start3A] : memref<28032x64xf32, #tpu.memory_space<vmem_shared>> -> memref<128x64xf32, #tpu.memory_space<vmem_shared>>
      %dma_start3A_47 = arith.constant 0 : i32
      %dma_start3A_48 = tpu.memref_slice %arg9[%add3A_11, %dma_start3A_47] : memref<28032x64xf32, #tpu.memory_space<vmem_shared>> -> memref<128x64xf32, #tpu.memory_space<vmem_shared>>
      tpu.enqueue_dma source(%arg12 : memref<128x64xf32, #tpu.memory_space<vmem>>) target(%dma_start3A_48 : memref<128x64xf32, #tpu.memory_space<vmem_shared>>) target_semaphore(%run_scoped3A : memref<!tpu.dma_semaphore, #tpu.memory_space<semaphore_mem>>)
      %dma_wait3A = arith.constant 0 : i32
      %dma_wait3A_49 = tpu.memref_slice %arg9[%add3A_11, %dma_wait3A] : memref<28032x64xf32, #tpu.memory_space<vmem_shared>> -> memref<128x64xf32, #tpu.memory_space<vmem_shared>>
      %dma_wait3A_50 = arith.constant 0 : i32
      %dma_wait3A_51 = tpu.memref_slice %arg9[%add3A_11, %dma_wait3A_50] : memref<28032x64xf32, #tpu.memory_space<vmem_shared>> -> memref<128x64xf32, #tpu.memory_space<vmem_shared>>
      tpu.wait_dma2 semaphore(%run_scoped3A : memref<!tpu.dma_semaphore, #tpu.memory_space<semaphore_mem>>) src(%arg12 : memref<128x64xf32, #tpu.memory_space<vmem>>) dst(%dma_wait3A_51 : memref<128x64xf32, #tpu.memory_space<vmem_shared>>)
      tpu.yield
    }) : () -> ()
    %add3A_12 = arith.constant 768 : i32
    %add3A_13 = arith.addi %mul3A_0, %add3A_12 : i32
    "tpu.region"() ({
      %run_scoped3A = tpu.sem_alloc : memref<!tpu.dma_semaphore, #tpu.memory_space<semaphore_mem>>
      %dma_start3A = arith.constant 0 : i32
      %dma_start3A_46 = tpu.memref_slice %arg9[%add3A_13, %dma_start3A] : memref<28032x64xf32, #tpu.memory_space<vmem_shared>> -> memref<128x64xf32, #tpu.memory_space<vmem_shared>>
      %dma_start3A_47 = arith.constant 0 : i32
      %dma_start3A_48 = tpu.memref_slice %arg9[%add3A_13, %dma_start3A_47] : memref<28032x64xf32, #tpu.memory_space<vmem_shared>> -> memref<128x64xf32, #tpu.memory_space<vmem_shared>>
      tpu.enqueue_dma source(%arg12 : memref<128x64xf32, #tpu.memory_space<vmem>>) target(%dma_start3A_48 : memref<128x64xf32, #tpu.memory_space<vmem_shared>>) target_semaphore(%run_scoped3A : memref<!tpu.dma_semaphore, #tpu.memory_space<semaphore_mem>>)
      %dma_wait3A = arith.constant 0 : i32
      %dma_wait3A_49 = tpu.memref_slice %arg9[%add3A_13, %dma_wait3A] : memref<28032x64xf32, #tpu.memory_space<vmem_shared>> -> memref<128x64xf32, #tpu.memory_space<vmem_shared>>
      %dma_wait3A_50 = arith.constant 0 : i32
      %dma_wait3A_51 = tpu.memref_slice %arg9[%add3A_13, %dma_wait3A_50] : memref<28032x64xf32, #tpu.memory_space<vmem_shared>> -> memref<128x64xf32, #tpu.memory_space<vmem_shared>>
      tpu.wait_dma2 semaphore(%run_scoped3A : memref<!tpu.dma_semaphore, #tpu.memory_space<semaphore_mem>>) src(%arg12 : memref<128x64xf32, #tpu.memory_space<vmem>>) dst(%dma_wait3A_51 : memref<128x64xf32, #tpu.memory_space<vmem_shared>>)
      tpu.yield
    }) : () -> ()
    %add3A_14 = arith.constant 896 : i32
    %add3A_15 = arith.addi %mul3A_0, %add3A_14 : i32
    "tpu.region"() ({
      %run_scoped3A = tpu.sem_alloc : memref<!tpu.dma_semaphore, #tpu.memory_space<semaphore_mem>>
      %dma_start3A = arith.constant 0 : i32
      %dma_start3A_46 = tpu.memref_slice %arg9[%add3A_15, %dma_start3A] : memref<28032x64xf32, #tpu.memory_space<vmem_shared>> -> memref<128x64xf32, #tpu.memory_space<vmem_shared>>
      %dma_start3A_47 = arith.constant 0 : i32
      %dma_start3A_48 = tpu.memref_slice %arg9[%add3A_15, %dma_start3A_47] : memref<28032x64xf32, #tpu.memory_space<vmem_shared>> -> memref<128x64xf32, #tpu.memory_space<vmem_shared>>
      tpu.enqueue_dma source(%arg12 : memref<128x64xf32, #tpu.memory_space<vmem>>) target(%dma_start3A_48 : memref<128x64xf32, #tpu.memory_space<vmem_shared>>) target_semaphore(%run_scoped3A : memref<!tpu.dma_semaphore, #tpu.memory_space<semaphore_mem>>)
      %dma_wait3A = arith.constant 0 : i32
      %dma_wait3A_49 = tpu.memref_slice %arg9[%add3A_15, %dma_wait3A] : memref<28032x64xf32, #tpu.memory_space<vmem_shared>> -> memref<128x64xf32, #tpu.memory_space<vmem_shared>>
      %dma_wait3A_50 = arith.constant 0 : i32
      %dma_wait3A_51 = tpu.memref_slice %arg9[%add3A_15, %dma_wait3A_50] : memref<28032x64xf32, #tpu.memory_space<vmem_shared>> -> memref<128x64xf32, #tpu.memory_space<vmem_shared>>
      tpu.wait_dma2 semaphore(%run_scoped3A : memref<!tpu.dma_semaphore, #tpu.memory_space<semaphore_mem>>) src(%arg12 : memref<128x64xf32, #tpu.memory_space<vmem>>) dst(%dma_wait3A_51 : memref<128x64xf32, #tpu.memory_space<vmem_shared>>)
      tpu.yield
    }) : () -> ()
    %add3A_16 = arith.constant 1024 : i32
    %add3A_17 = arith.addi %mul3A_0, %add3A_16 : i32
    "tpu.region"() ({
      %run_scoped3A = tpu.sem_alloc : memref<!tpu.dma_semaphore, #tpu.memory_space<semaphore_mem>>
      %dma_start3A = arith.constant 0 : i32
      %dma_start3A_46 = tpu.memref_slice %arg9[%add3A_17, %dma_start3A] : memref<28032x64xf32, #tpu.memory_space<vmem_shared>> -> memref<128x64xf32, #tpu.memory_space<vmem_shared>>
      %dma_start3A_47 = arith.constant 0 : i32
      %dma_start3A_48 = tpu.memref_slice %arg9[%add3A_17, %dma_start3A_47] : memref<28032x64xf32, #tpu.memory_space<vmem_shared>> -> memref<128x64xf32, #tpu.memory_space<vmem_shared>>
      tpu.enqueue_dma source(%arg12 : memref<128x64xf32, #tpu.memory_space<vmem>>) target(%dma_start3A_48 : memref<128x64xf32, #tpu.memory_space<vmem_shared>>) target_semaphore(%run_scoped3A : memref<!tpu.dma_semaphore, #tpu.memory_space<semaphore_mem>>)
      %dma_wait3A = arith.constant 0 : i32
      %dma_wait3A_49 = tpu.memref_slice %arg9[%add3A_17, %dma_wait3A] : memref<28032x64xf32, #tpu.memory_space<vmem_shared>> -> memref<128x64xf32, #tpu.memory_space<vmem_shared>>
      %dma_wait3A_50 = arith.constant 0 : i32
      %dma_wait3A_51 = tpu.memref_slice %arg9[%add3A_17, %dma_wait3A_50] : memref<28032x64xf32, #tpu.memory_space<vmem_shared>> -> memref<128x64xf32, #tpu.memory_space<vmem_shared>>
      tpu.wait_dma2 semaphore(%run_scoped3A : memref<!tpu.dma_semaphore, #tpu.memory_space<semaphore_mem>>) src(%arg12 : memref<128x64xf32, #tpu.memory_space<vmem>>) dst(%dma_wait3A_51 : memref<128x64xf32, #tpu.memory_space<vmem_shared>>)
      tpu.yield
    }) : () -> ()
    %add3A_18 = arith.constant 1152 : i32
    %add3A_19 = arith.addi %mul3A_0, %add3A_18 : i32
    "tpu.region"() ({
      %run_scoped3A = tpu.sem_alloc : memref<!tpu.dma_semaphore, #tpu.memory_space<semaphore_mem>>
      %dma_start3A = arith.constant 0 : i32
      %dma_start3A_46 = tpu.memref_slice %arg9[%add3A_19, %dma_start3A] : memref<28032x64xf32, #tpu.memory_space<vmem_shared>> -> memref<128x64xf32, #tpu.memory_space<vmem_shared>>
      %dma_start3A_47 = arith.constant 0 : i32
      %dma_start3A_48 = tpu.memref_slice %arg9[%add3A_19, %dma_start3A_47] : memref<28032x64xf32, #tpu.memory_space<vmem_shared>> -> memref<128x64xf32, #tpu.memory_space<vmem_shared>>
      tpu.enqueue_dma source(%arg12 : memref<128x64xf32, #tpu.memory_space<vmem>>) target(%dma_start3A_48 : memref<128x64xf32, #tpu.memory_space<vmem_shared>>) target_semaphore(%run_scoped3A : memref<!tpu.dma_semaphore, #tpu.memory_space<semaphore_mem>>)
      %dma_wait3A = arith.constant 0 : i32
      %dma_wait3A_49 = tpu.memref_slice %arg9[%add3A_19, %dma_wait3A] : memref<28032x64xf32, #tpu.memory_space<vmem_shared>> -> memref<128x64xf32, #tpu.memory_space<vmem_shared>>
      %dma_wait3A_50 = arith.constant 0 : i32
      %dma_wait3A_51 = tpu.memref_slice %arg9[%add3A_19, %dma_wait3A_50] : memref<28032x64xf32, #tpu.memory_space<vmem_shared>> -> memref<128x64xf32, #tpu.memory_space<vmem_shared>>
      tpu.wait_dma2 semaphore(%run_scoped3A : memref<!tpu.dma_semaphore, #tpu.memory_space<semaphore_mem>>) src(%arg12 : memref<128x64xf32, #tpu.memory_space<vmem>>) dst(%dma_wait3A_51 : memref<128x64xf32, #tpu.memory_space<vmem_shared>>)
      tpu.yield
    }) : () -> ()
    %add3A_20 = arith.constant 1280 : i32
    %add3A_21 = arith.addi %mul3A_0, %add3A_20 : i32
    "tpu.region"() ({
      %run_scoped3A = tpu.sem_alloc : memref<!tpu.dma_semaphore, #tpu.memory_space<semaphore_mem>>
      %dma_start3A = arith.constant 0 : i32
      %dma_start3A_46 = tpu.memref_slice %arg9[%add3A_21, %dma_start3A] : memref<28032x64xf32, #tpu.memory_space<vmem_shared>> -> memref<128x64xf32, #tpu.memory_space<vmem_shared>>
      %dma_start3A_47 = arith.constant 0 : i32
      %dma_start3A_48 = tpu.memref_slice %arg9[%add3A_21, %dma_start3A_47] : memref<28032x64xf32, #tpu.memory_space<vmem_shared>> -> memref<128x64xf32, #tpu.memory_space<vmem_shared>>
      tpu.enqueue_dma source(%arg12 : memref<128x64xf32, #tpu.memory_space<vmem>>) target(%dma_start3A_48 : memref<128x64xf32, #tpu.memory_space<vmem_shared>>) target_semaphore(%run_scoped3A : memref<!tpu.dma_semaphore, #tpu.memory_space<semaphore_mem>>)
      %dma_wait3A = arith.constant 0 : i32
      %dma_wait3A_49 = tpu.memref_slice %arg9[%add3A_21, %dma_wait3A] : memref<28032x64xf32, #tpu.memory_space<vmem_shared>> -> memref<128x64xf32, #tpu.memory_space<vmem_shared>>
      %dma_wait3A_50 = arith.constant 0 : i32
      %dma_wait3A_51 = tpu.memref_slice %arg9[%add3A_21, %dma_wait3A_50] : memref<28032x64xf32, #tpu.memory_space<vmem_shared>> -> memref<128x64xf32, #tpu.memory_space<vmem_shared>>
      tpu.wait_dma2 semaphore(%run_scoped3A : memref<!tpu.dma_semaphore, #tpu.memory_space<semaphore_mem>>) src(%arg12 : memref<128x64xf32, #tpu.memory_space<vmem>>) dst(%dma_wait3A_51 : memref<128x64xf32, #tpu.memory_space<vmem_shared>>)
      tpu.yield
    }) : () -> ()
    %add3A_22 = arith.constant 1408 : i32
    %add3A_23 = arith.addi %mul3A_0, %add3A_22 : i32
    "tpu.region"() ({
      %run_scoped3A = tpu.sem_alloc : memref<!tpu.dma_semaphore, #tpu.memory_space<semaphore_mem>>
      %dma_start3A = arith.constant 0 : i32
      %dma_start3A_46 = tpu.memref_slice %arg9[%add3A_23, %dma_start3A] : memref<28032x64xf32, #tpu.memory_space<vmem_shared>> -> memref<128x64xf32, #tpu.memory_space<vmem_shared>>
      %dma_start3A_47 = arith.constant 0 : i32
      %dma_start3A_48 = tpu.memref_slice %arg9[%add3A_23, %dma_start3A_47] : memref<28032x64xf32, #tpu.memory_space<vmem_shared>> -> memref<128x64xf32, #tpu.memory_space<vmem_shared>>
      tpu.enqueue_dma source(%arg12 : memref<128x64xf32, #tpu.memory_space<vmem>>) target(%dma_start3A_48 : memref<128x64xf32, #tpu.memory_space<vmem_shared>>) target_semaphore(%run_scoped3A : memref<!tpu.dma_semaphore, #tpu.memory_space<semaphore_mem>>)
      %dma_wait3A = arith.constant 0 : i32
      %dma_wait3A_49 = tpu.memref_slice %arg9[%add3A_23, %dma_wait3A] : memref<28032x64xf32, #tpu.memory_space<vmem_shared>> -> memref<128x64xf32, #tpu.memory_space<vmem_shared>>
      %dma_wait3A_50 = arith.constant 0 : i32
      %dma_wait3A_51 = tpu.memref_slice %arg9[%add3A_23, %dma_wait3A_50] : memref<28032x64xf32, #tpu.memory_space<vmem_shared>> -> memref<128x64xf32, #tpu.memory_space<vmem_shared>>
      tpu.wait_dma2 semaphore(%run_scoped3A : memref<!tpu.dma_semaphore, #tpu.memory_space<semaphore_mem>>) src(%arg12 : memref<128x64xf32, #tpu.memory_space<vmem>>) dst(%dma_wait3A_51 : memref<128x64xf32, #tpu.memory_space<vmem_shared>>)
      tpu.yield
    }) : () -> ()
    %add3A_24 = arith.constant 1536 : i32
    %add3A_25 = arith.addi %mul3A_0, %add3A_24 : i32
    "tpu.region"() ({
      %run_scoped3A = tpu.sem_alloc : memref<!tpu.dma_semaphore, #tpu.memory_space<semaphore_mem>>
      %dma_start3A = arith.constant 0 : i32
      %dma_start3A_46 = tpu.memref_slice %arg9[%add3A_25, %dma_start3A] : memref<28032x64xf32, #tpu.memory_space<vmem_shared>> -> memref<128x64xf32, #tpu.memory_space<vmem_shared>>
      %dma_start3A_47 = arith.constant 0 : i32
      %dma_start3A_48 = tpu.memref_slice %arg9[%add3A_25, %dma_start3A_47] : memref<28032x64xf32, #tpu.memory_space<vmem_shared>> -> memref<128x64xf32, #tpu.memory_space<vmem_shared>>
      tpu.enqueue_dma source(%arg12 : memref<128x64xf32, #tpu.memory_space<vmem>>) target(%dma_start3A_48 : memref<128x64xf32, #tpu.memory_space<vmem_shared>>) target_semaphore(%run_scoped3A : memref<!tpu.dma_semaphore, #tpu.memory_space<semaphore_mem>>)
      %dma_wait3A = arith.constant 0 : i32
      %dma_wait3A_49 = tpu.memref_slice %arg9[%add3A_25, %dma_wait3A] : memref<28032x64xf32, #tpu.memory_space<vmem_shared>> -> memref<128x64xf32, #tpu.memory_space<vmem_shared>>
      %dma_wait3A_50 = arith.constant 0 : i32
      %dma_wait3A_51 = tpu.memref_slice %arg9[%add3A_25, %dma_wait3A_50] : memref<28032x64xf32, #tpu.memory_space<vmem_shared>> -> memref<128x64xf32, #tpu.memory_space<vmem_shared>>
      tpu.wait_dma2 semaphore(%run_scoped3A : memref<!tpu.dma_semaphore, #tpu.memory_space<semaphore_mem>>) src(%arg12 : memref<128x64xf32, #tpu.memory_space<vmem>>) dst(%dma_wait3A_51 : memref<128x64xf32, #tpu.memory_space<vmem_shared>>)
      tpu.yield
    }) : () -> ()
    %add3A_26 = arith.constant 1664 : i32
    %add3A_27 = arith.addi %mul3A_0, %add3A_26 : i32
    "tpu.region"() ({
      %run_scoped3A = tpu.sem_alloc : memref<!tpu.dma_semaphore, #tpu.memory_space<semaphore_mem>>
      %dma_start3A = arith.constant 0 : i32
      %dma_start3A_46 = arith.constant 0 : i32
      %dma_start3A_47 = tpu.memref_slice %arg12[%dma_start3A, %dma_start3A_46] : memref<128x64xf32, #tpu.memory_space<vmem>> -> memref<88x64xf32, #tpu.memory_space<vmem>>
      %dma_start3A_48 = arith.constant 0 : i32
      %dma_start3A_49 = tpu.memref_slice %arg9[%add3A_27, %dma_start3A_48] : memref<28032x64xf32, #tpu.memory_space<vmem_shared>> -> memref<88x64xf32, #tpu.memory_space<vmem_shared>>
      %dma_start3A_50 = arith.constant 0 : i32
      %dma_start3A_51 = tpu.memref_slice %arg9[%add3A_27, %dma_start3A_50] : memref<28032x64xf32, #tpu.memory_space<vmem_shared>> -> memref<88x64xf32, #tpu.memory_space<vmem_shared>>
      %dma_start3A_52 = arith.constant 0 : i32
      %dma_start3A_53 = arith.constant 0 : i32
      %dma_start3A_54 = tpu.memref_slice %arg12[%dma_start3A_52, %dma_start3A_53] : memref<128x64xf32, #tpu.memory_space<vmem>> -> memref<88x64xf32, #tpu.memory_space<vmem>>
      tpu.enqueue_dma source(%dma_start3A_54 : memref<88x64xf32, #tpu.memory_space<vmem>>) target(%dma_start3A_51 : memref<88x64xf32, #tpu.memory_space<vmem_shared>>) target_semaphore(%run_scoped3A : memref<!tpu.dma_semaphore, #tpu.memory_space<semaphore_mem>>)
      %dma_wait3A = arith.constant 0 : i32
      %dma_wait3A_55 = arith.constant 0 : i32
      %dma_wait3A_56 = tpu.memref_slice %arg12[%dma_wait3A, %dma_wait3A_55] : memref<128x64xf32, #tpu.memory_space<vmem>> -> memref<88x64xf32, #tpu.memory_space<vmem>>
      %dma_wait3A_57 = arith.constant 0 : i32
      %dma_wait3A_58 = tpu.memref_slice %arg9[%add3A_27, %dma_wait3A_57] : memref<28032x64xf32, #tpu.memory_space<vmem_shared>> -> memref<88x64xf32, #tpu.memory_space<vmem_shared>>
      %dma_wait3A_59 = arith.constant 0 : i32
      %dma_wait3A_60 = tpu.memref_slice %arg9[%add3A_27, %dma_wait3A_59] : memref<28032x64xf32, #tpu.memory_space<vmem_shared>> -> memref<88x64xf32, #tpu.memory_space<vmem_shared>>
      %dma_wait3A_61 = arith.constant 0 : i32
      %dma_wait3A_62 = arith.constant 0 : i32
      %dma_wait3A_63 = tpu.memref_slice %arg12[%dma_wait3A_61, %dma_wait3A_62] : memref<128x64xf32, #tpu.memory_space<vmem>> -> memref<88x64xf32, #tpu.memory_space<vmem>>
      tpu.wait_dma2 semaphore(%run_scoped3A : memref<!tpu.dma_semaphore, #tpu.memory_space<semaphore_mem>>) src(%dma_wait3A_63 : memref<88x64xf32, #tpu.memory_space<vmem>>) dst(%dma_wait3A_60 : memref<88x64xf32, #tpu.memory_space<vmem_shared>>)
      tpu.yield
    }) : () -> ()
    %barrier3A = arith.constant 0 : index
    tpu.barrier barrier_id(%barrier3A)
    %eq3A = arith.constant 0 : i32
    %eq3A_28 = arith.cmpi eq, %arg0, %eq3A : i32
    %convert_element_type3A = arith.extui %eq3A_28 : i1 to i32
    %cond3A = arith.constant 0 : i32
    %cond3A_29 = arith.cmpi ne, %convert_element_type3A, %cond3A : i32
    scf.if %cond3A_29 {
      %scan3A = arith.constant 0 : i32
      %scan3A_46 = arith.constant 0 : i32
      %scan3A_47 = arith.constant 16 : i32
      %scan3A_48 = arith.addi %scan3A_46, %scan3A_47 : i32
      %scan3A_49 = arith.constant 1 : i32
      scf.for %scan3A_51 = %scan3A_46 to %scan3A_48 step %scan3A_49  : i32 {
        %mul3A_52 = arith.constant 128 : i32
        %mul3A_53 = arith.muli %arg1, %mul3A_52 : i32
        %mul3A_54 = arith.constant 8 : i32
        %mul3A_55 = arith.muli %scan3A_51, %mul3A_54 : i32
        %add3A_56 = arith.addi %mul3A_53, %mul3A_55 : i32
        "tpu.region"() ({
          %run_scoped3A = tpu.sem_alloc : memref<!tpu.dma_semaphore, #tpu.memory_space<semaphore_mem>>
          %dma_start3A_279 = arith.constant 0 : i32
          %dma_start3A_280 = tpu.memref_slice %arg3[%add3A_56, %dma_start3A_279] : memref<2048x128xi32, #tpu.memory_space<hbm>> -> memref<8x128xi32, #tpu.memory_space<hbm>>
          %dma_start3A_281 = arith.constant 0 : i32
          %dma_start3A_282 = tpu.memref_slice %arg3[%add3A_56, %dma_start3A_281] : memref<2048x128xi32, #tpu.memory_space<hbm>> -> memref<8x128xi32, #tpu.memory_space<hbm>>
          tpu.enqueue_dma source(%dma_start3A_282 : memref<8x128xi32, #tpu.memory_space<hbm>>) target(%arg10 : memref<8x128xi32, #tpu.memory_space<vmem>>) target_semaphore(%run_scoped3A : memref<!tpu.dma_semaphore, #tpu.memory_space<semaphore_mem>>)
          %dma_wait3A_283 = arith.constant 0 : i32
          %dma_wait3A_284 = tpu.memref_slice %arg3[%add3A_56, %dma_wait3A_283] : memref<2048x128xi32, #tpu.memory_space<hbm>> -> memref<8x128xi32, #tpu.memory_space<hbm>>
          %dma_wait3A_285 = arith.constant 0 : i32
          %dma_wait3A_286 = tpu.memref_slice %arg3[%add3A_56, %dma_wait3A_285] : memref<2048x128xi32, #tpu.memory_space<hbm>> -> memref<8x128xi32, #tpu.memory_space<hbm>>
          tpu.wait_dma2 semaphore(%run_scoped3A : memref<!tpu.dma_semaphore, #tpu.memory_space<semaphore_mem>>) src(%dma_wait3A_286 : memref<8x128xi32, #tpu.memory_space<hbm>>) dst(%arg10 : memref<8x128xi32, #tpu.memory_space<vmem>>)
          tpu.yield
        }) : () -> ()
        "tpu.region"() ({
          %run_scoped3A = tpu.sem_alloc : memref<!tpu.dma_semaphore, #tpu.memory_space<semaphore_mem>>
          %dma_start3A_279 = arith.constant 0 : i32
          %dma_start3A_280 = tpu.memref_slice %arg5[%add3A_56, %dma_start3A_279] : memref<2048x128xi32, #tpu.memory_space<hbm>> -> memref<8x128xi32, #tpu.memory_space<hbm>>
          %dma_start3A_281 = arith.constant 0 : i32
          %dma_start3A_282 = tpu.memref_slice %arg5[%add3A_56, %dma_start3A_281] : memref<2048x128xi32, #tpu.memory_space<hbm>> -> memref<8x128xi32, #tpu.memory_space<hbm>>
          tpu.enqueue_dma source(%dma_start3A_282 : memref<8x128xi32, #tpu.memory_space<hbm>>) target(%arg11 : memref<8x128xi32, #tpu.memory_space<vmem>>) target_semaphore(%run_scoped3A : memref<!tpu.dma_semaphore, #tpu.memory_space<semaphore_mem>>)
          %dma_wait3A_283 = arith.constant 0 : i32
          %dma_wait3A_284 = tpu.memref_slice %arg5[%add3A_56, %dma_wait3A_283] : memref<2048x128xi32, #tpu.memory_space<hbm>> -> memref<8x128xi32, #tpu.memory_space<hbm>>
          %dma_wait3A_285 = arith.constant 0 : i32
          %dma_wait3A_286 = tpu.memref_slice %arg5[%add3A_56, %dma_wait3A_285] : memref<2048x128xi32, #tpu.memory_space<hbm>> -> memref<8x128xi32, #tpu.memory_space<hbm>>
          tpu.wait_dma2 semaphore(%run_scoped3A : memref<!tpu.dma_semaphore, #tpu.memory_space<semaphore_mem>>) src(%dma_wait3A_286 : memref<8x128xi32, #tpu.memory_space<hbm>>) dst(%arg11 : memref<8x128xi32, #tpu.memory_space<vmem>>)
          tpu.yield
        }) : () -> ()
        %dma_start3A = arith.constant 0 : i32
        %dma_start3A_57 = arith.constant 0 : i32
        %dma_start3A_58 = tpu.memref_slice %arg10[%dma_start3A, %dma_start3A_57] : memref<8x128xi32, #tpu.memory_space<vmem>> -> memref<1x128xi32, #tpu.memory_space<vmem>>
        %dma_start3A_59 = tpu.memref_squeeze %dma_start3A_58 : memref<1x128xi32, #tpu.memory_space<vmem>> -> memref<128xi32, #tpu.memory_space<vmem>>
        %dma_start3A_60 = arith.constant 0 : i32
        %dma_start3A_61 = arith.constant 0 : i32
        %dma_start3A_62 = tpu.memref_slice %arg6[%dma_start3A_60, %dma_start3A_61] : memref<57344x64xf32, #tpu.memory_space<hbm>> -> memref<57344x64xf32, #tpu.memory_space<hbm>>
        tpu.enqueue_indirect_dma source(%dma_start3A_62 : memref<57344x64xf32, #tpu.memory_space<hbm>>) target(%arg12 : memref<128x64xf32, #tpu.memory_space<vmem>>) offsets(%dma_start3A_59 : memref<128xi32, #tpu.memory_space<vmem>>) semaphore(%arg14 : memref<!tpu.dma_semaphore, #tpu.memory_space<semaphore_mem>>)
        %dma_start3A_63 = arith.constant 1 : i32
        %dma_start3A_64 = arith.constant 0 : i32
        %dma_start3A_65 = tpu.memref_slice %arg10[%dma_start3A_63, %dma_start3A_64] : memref<8x128xi32, #tpu.memory_space<vmem>> -> memref<1x128xi32, #tpu.memory_space<vmem>>
        %dma_start3A_66 = tpu.memref_squeeze %dma_start3A_65 : memref<1x128xi32, #tpu.memory_space<vmem>> -> memref<128xi32, #tpu.memory_space<vmem>>
        %dma_start3A_67 = arith.constant 0 : i32
        %dma_start3A_68 = arith.constant 0 : i32
        %dma_start3A_69 = tpu.memref_slice %arg6[%dma_start3A_67, %dma_start3A_68] : memref<57344x64xf32, #tpu.memory_space<hbm>> -> memref<57344x64xf32, #tpu.memory_space<hbm>>
        tpu.enqueue_indirect_dma source(%dma_start3A_69 : memref<57344x64xf32, #tpu.memory_space<hbm>>) target(%arg13 : memref<128x64xf32, #tpu.memory_space<vmem>>) offsets(%dma_start3A_66 : memref<128xi32, #tpu.memory_space<vmem>>) semaphore(%arg15 : memref<!tpu.dma_semaphore, #tpu.memory_space<semaphore_mem>>)
        %dma_wait3A = arith.constant 0 : i32
        %dma_wait3A_70 = arith.constant 0 : i32
        %dma_wait3A_71 = tpu.memref_slice %arg10[%dma_wait3A, %dma_wait3A_70] : memref<8x128xi32, #tpu.memory_space<vmem>> -> memref<1x128xi32, #tpu.memory_space<vmem>>
        %dma_wait3A_72 = tpu.memref_squeeze %dma_wait3A_71 : memref<1x128xi32, #tpu.memory_space<vmem>> -> memref<128xi32, #tpu.memory_space<vmem>>
        %dma_wait3A_73 = arith.constant 0 : i32
        %dma_wait3A_74 = arith.constant 0 : i32
        %dma_wait3A_75 = tpu.memref_slice %arg6[%dma_wait3A_73, %dma_wait3A_74] : memref<57344x64xf32, #tpu.memory_space<hbm>> -> memref<57344x64xf32, #tpu.memory_space<hbm>>
        tpu.wait_indirect_dma semaphore(%arg14 : memref<!tpu.dma_semaphore, #tpu.memory_space<semaphore_mem>>) src(%dma_wait3A_75 : memref<57344x64xf32, #tpu.memory_space<hbm>>) dst(%arg12 : memref<128x64xf32, #tpu.memory_space<vmem>>)
        %dma_start3A_76 = arith.constant 0 : i32
        %dma_start3A_77 = arith.constant 0 : i32
        %dma_start3A_78 = tpu.memref_slice %arg11[%dma_start3A_76, %dma_start3A_77] : memref<8x128xi32, #tpu.memory_space<vmem>> -> memref<1x128xi32, #tpu.memory_space<vmem>>
        %dma_start3A_79 = tpu.memref_squeeze %dma_start3A_78 : memref<1x128xi32, #tpu.memory_space<vmem>> -> memref<128xi32, #tpu.memory_space<vmem>>
        %dma_start3A_80 = arith.constant 0 : i32
        %dma_start3A_81 = arith.constant 0 : i32
        %dma_start3A_82 = tpu.memref_slice %arg9[%dma_start3A_80, %dma_start3A_81] : memref<28032x64xf32, #tpu.memory_space<vmem_shared>> -> memref<28032x64xf32, #tpu.memory_space<vmem_shared>>
        tpu.enqueue_indirect_dma source(%arg12 : memref<128x64xf32, #tpu.memory_space<vmem>>) target(%dma_start3A_82 : memref<28032x64xf32, #tpu.memory_space<vmem_shared>>) offsets(%dma_start3A_79 : memref<128xi32, #tpu.memory_space<vmem>>) semaphore(%arg16 : memref<!tpu.dma_semaphore, #tpu.memory_space<semaphore_mem>>) {add = true}
        %dma_wait3A_83 = arith.constant 0 : i32
        %dma_wait3A_84 = arith.constant 0 : i32
        %dma_wait3A_85 = tpu.memref_slice %arg11[%dma_wait3A_83, %dma_wait3A_84] : memref<8x128xi32, #tpu.memory_space<vmem>> -> memref<1x128xi32, #tpu.memory_space<vmem>>
        %dma_wait3A_86 = tpu.memref_squeeze %dma_wait3A_85 : memref<1x128xi32, #tpu.memory_space<vmem>> -> memref<128xi32, #tpu.memory_space<vmem>>
        %dma_wait3A_87 = arith.constant 0 : i32
        %dma_wait3A_88 = arith.constant 0 : i32
        %dma_wait3A_89 = tpu.memref_slice %arg9[%dma_wait3A_87, %dma_wait3A_88] : memref<28032x64xf32, #tpu.memory_space<vmem_shared>> -> memref<28032x64xf32, #tpu.memory_space<vmem_shared>>
        tpu.wait_indirect_dma semaphore(%arg16 : memref<!tpu.dma_semaphore, #tpu.memory_space<semaphore_mem>>) src(%arg12 : memref<128x64xf32, #tpu.memory_space<vmem>>) dst(%dma_wait3A_89 : memref<28032x64xf32, #tpu.memory_space<vmem_shared>>)
        %dma_start3A_90 = arith.constant 2 : i32
        %dma_start3A_91 = arith.constant 0 : i32
        %dma_start3A_92 = tpu.memref_slice %arg10[%dma_start3A_90, %dma_start3A_91] : memref<8x128xi32, #tpu.memory_space<vmem>> -> memref<1x128xi32, #tpu.memory_space<vmem>>
        %dma_start3A_93 = tpu.memref_squeeze %dma_start3A_92 : memref<1x128xi32, #tpu.memory_space<vmem>> -> memref<128xi32, #tpu.memory_space<vmem>>
        %dma_start3A_94 = arith.constant 0 : i32
        %dma_start3A_95 = arith.constant 0 : i32
        %dma_start3A_96 = tpu.memref_slice %arg6[%dma_start3A_94, %dma_start3A_95] : memref<57344x64xf32, #tpu.memory_space<hbm>> -> memref<57344x64xf32, #tpu.memory_space<hbm>>
        tpu.enqueue_indirect_dma source(%dma_start3A_96 : memref<57344x64xf32, #tpu.memory_space<hbm>>) target(%arg12 : memref<128x64xf32, #tpu.memory_space<vmem>>) offsets(%dma_start3A_93 : memref<128xi32, #tpu.memory_space<vmem>>) semaphore(%arg14 : memref<!tpu.dma_semaphore, #tpu.memory_space<semaphore_mem>>)
        %dma_wait3A_97 = arith.constant 1 : i32
        %dma_wait3A_98 = arith.constant 0 : i32
        %dma_wait3A_99 = tpu.memref_slice %arg10[%dma_wait3A_97, %dma_wait3A_98] : memref<8x128xi32, #tpu.memory_space<vmem>> -> memref<1x128xi32, #tpu.memory_space<vmem>>
        %dma_wait3A_100 = tpu.memref_squeeze %dma_wait3A_99 : memref<1x128xi32, #tpu.memory_space<vmem>> -> memref<128xi32, #tpu.memory_space<vmem>>
        %dma_wait3A_101 = arith.constant 0 : i32
        %dma_wait3A_102 = arith.constant 0 : i32
        %dma_wait3A_103 = tpu.memref_slice %arg6[%dma_wait3A_101, %dma_wait3A_102] : memref<57344x64xf32, #tpu.memory_space<hbm>> -> memref<57344x64xf32, #tpu.memory_space<hbm>>
        tpu.wait_indirect_dma semaphore(%arg15 : memref<!tpu.dma_semaphore, #tpu.memory_space<semaphore_mem>>) src(%dma_wait3A_103 : memref<57344x64xf32, #tpu.memory_space<hbm>>) dst(%arg13 : memref<128x64xf32, #tpu.memory_space<vmem>>)
        %dma_start3A_104 = arith.constant 1 : i32
        %dma_start3A_105 = arith.constant 0 : i32
        %dma_start3A_106 = tpu.memref_slice %arg11[%dma_start3A_104, %dma_start3A_105] : memref<8x128xi32, #tpu.memory_space<vmem>> -> memref<1x128xi32, #tpu.memory_space<vmem>>
        %dma_start3A_107 = tpu.memref_squeeze %dma_start3A_106 : memref<1x128xi32, #tpu.memory_space<vmem>> -> memref<128xi32, #tpu.memory_space<vmem>>
        %dma_start3A_108 = arith.constant 0 : i32
        %dma_start3A_109 = arith.constant 0 : i32
        %dma_start3A_110 = tpu.memref_slice %arg9[%dma_start3A_108, %dma_start3A_109] : memref<28032x64xf32, #tpu.memory_space<vmem_shared>> -> memref<28032x64xf32, #tpu.memory_space<vmem_shared>>
        tpu.enqueue_indirect_dma source(%arg13 : memref<128x64xf32, #tpu.memory_space<vmem>>) target(%dma_start3A_110 : memref<28032x64xf32, #tpu.memory_space<vmem_shared>>) offsets(%dma_start3A_107 : memref<128xi32, #tpu.memory_space<vmem>>) semaphore(%arg17 : memref<!tpu.dma_semaphore, #tpu.memory_space<semaphore_mem>>) {add = true}
        %dma_wait3A_111 = arith.constant 1 : i32
        %dma_wait3A_112 = arith.constant 0 : i32
        %dma_wait3A_113 = tpu.memref_slice %arg11[%dma_wait3A_111, %dma_wait3A_112] : memref<8x128xi32, #tpu.memory_space<vmem>> -> memref<1x128xi32, #tpu.memory_space<vmem>>
        %dma_wait3A_114 = tpu.memref_squeeze %dma_wait3A_113 : memref<1x128xi32, #tpu.memory_space<vmem>> -> memref<128xi32, #tpu.memory_space<vmem>>
        %dma_wait3A_115 = arith.constant 0 : i32
        %dma_wait3A_116 = arith.constant 0 : i32
        %dma_wait3A_117 = tpu.memref_slice %arg9[%dma_wait3A_115, %dma_wait3A_116] : memref<28032x64xf32, #tpu.memory_space<vmem_shared>> -> memref<28032x64xf32, #tpu.memory_space<vmem_shared>>
        tpu.wait_indirect_dma semaphore(%arg17 : memref<!tpu.dma_semaphore, #tpu.memory_space<semaphore_mem>>) src(%arg13 : memref<128x64xf32, #tpu.memory_space<vmem>>) dst(%dma_wait3A_117 : memref<28032x64xf32, #tpu.memory_space<vmem_shared>>)
        %dma_start3A_118 = arith.constant 3 : i32
        %dma_start3A_119 = arith.constant 0 : i32
        %dma_start3A_120 = tpu.memref_slice %arg10[%dma_start3A_118, %dma_start3A_119] : memref<8x128xi32, #tpu.memory_space<vmem>> -> memref<1x128xi32, #tpu.memory_space<vmem>>
        %dma_start3A_121 = tpu.memref_squeeze %dma_start3A_120 : memref<1x128xi32, #tpu.memory_space<vmem>> -> memref<128xi32, #tpu.memory_space<vmem>>
        %dma_start3A_122 = arith.constant 0 : i32
        %dma_start3A_123 = arith.constant 0 : i32
        %dma_start3A_124 = tpu.memref_slice %arg6[%dma_start3A_122, %dma_start3A_123] : memref<57344x64xf32, #tpu.memory_space<hbm>> -> memref<57344x64xf32, #tpu.memory_space<hbm>>
        tpu.enqueue_indirect_dma source(%dma_start3A_124 : memref<57344x64xf32, #tpu.memory_space<hbm>>) target(%arg13 : memref<128x64xf32, #tpu.memory_space<vmem>>) offsets(%dma_start3A_121 : memref<128xi32, #tpu.memory_space<vmem>>) semaphore(%arg15 : memref<!tpu.dma_semaphore, #tpu.memory_space<semaphore_mem>>)
        %dma_wait3A_125 = arith.constant 2 : i32
        %dma_wait3A_126 = arith.constant 0 : i32
        %dma_wait3A_127 = tpu.memref_slice %arg10[%dma_wait3A_125, %dma_wait3A_126] : memref<8x128xi32, #tpu.memory_space<vmem>> -> memref<1x128xi32, #tpu.memory_space<vmem>>
        %dma_wait3A_128 = tpu.memref_squeeze %dma_wait3A_127 : memref<1x128xi32, #tpu.memory_space<vmem>> -> memref<128xi32, #tpu.memory_space<vmem>>
        %dma_wait3A_129 = arith.constant 0 : i32
        %dma_wait3A_130 = arith.constant 0 : i32
        %dma_wait3A_131 = tpu.memref_slice %arg6[%dma_wait3A_129, %dma_wait3A_130] : memref<57344x64xf32, #tpu.memory_space<hbm>> -> memref<57344x64xf32, #tpu.memory_space<hbm>>
        tpu.wait_indirect_dma semaphore(%arg14 : memref<!tpu.dma_semaphore, #tpu.memory_space<semaphore_mem>>) src(%dma_wait3A_131 : memref<57344x64xf32, #tpu.memory_space<hbm>>) dst(%arg12 : memref<128x64xf32, #tpu.memory_space<vmem>>)
        %dma_start3A_132 = arith.constant 2 : i32
        %dma_start3A_133 = arith.constant 0 : i32
        %dma_start3A_134 = tpu.memref_slice %arg11[%dma_start3A_132, %dma_start3A_133] : memref<8x128xi32, #tpu.memory_space<vmem>> -> memref<1x128xi32, #tpu.memory_space<vmem>>
        %dma_start3A_135 = tpu.memref_squeeze %dma_start3A_134 : memref<1x128xi32, #tpu.memory_space<vmem>> -> memref<128xi32, #tpu.memory_space<vmem>>
        %dma_start3A_136 = arith.constant 0 : i32
        %dma_start3A_137 = arith.constant 0 : i32
        %dma_start3A_138 = tpu.memref_slice %arg9[%dma_start3A_136, %dma_start3A_137] : memref<28032x64xf32, #tpu.memory_space<vmem_shared>> -> memref<28032x64xf32, #tpu.memory_space<vmem_shared>>
        tpu.enqueue_indirect_dma source(%arg12 : memref<128x64xf32, #tpu.memory_space<vmem>>) target(%dma_start3A_138 : memref<28032x64xf32, #tpu.memory_space<vmem_shared>>) offsets(%dma_start3A_135 : memref<128xi32, #tpu.memory_space<vmem>>) semaphore(%arg16 : memref<!tpu.dma_semaphore, #tpu.memory_space<semaphore_mem>>) {add = true}
        %dma_wait3A_139 = arith.constant 2 : i32
        %dma_wait3A_140 = arith.constant 0 : i32
        %dma_wait3A_141 = tpu.memref_slice %arg11[%dma_wait3A_139, %dma_wait3A_140] : memref<8x128xi32, #tpu.memory_space<vmem>> -> memref<1x128xi32, #tpu.memory_space<vmem>>
        %dma_wait3A_142 = tpu.memref_squeeze %dma_wait3A_141 : memref<1x128xi32, #tpu.memory_space<vmem>> -> memref<128xi32, #tpu.memory_space<vmem>>
        %dma_wait3A_143 = arith.constant 0 : i32
        %dma_wait3A_144 = arith.constant 0 : i32
        %dma_wait3A_145 = tpu.memref_slice %arg9[%dma_wait3A_143, %dma_wait3A_144] : memref<28032x64xf32, #tpu.memory_space<vmem_shared>> -> memref<28032x64xf32, #tpu.memory_space<vmem_shared>>
        tpu.wait_indirect_dma semaphore(%arg16 : memref<!tpu.dma_semaphore, #tpu.memory_space<semaphore_mem>>) src(%arg12 : memref<128x64xf32, #tpu.memory_space<vmem>>) dst(%dma_wait3A_145 : memref<28032x64xf32, #tpu.memory_space<vmem_shared>>)
        %dma_start3A_146 = arith.constant 4 : i32
        %dma_start3A_147 = arith.constant 0 : i32
        %dma_start3A_148 = tpu.memref_slice %arg10[%dma_start3A_146, %dma_start3A_147] : memref<8x128xi32, #tpu.memory_space<vmem>> -> memref<1x128xi32, #tpu.memory_space<vmem>>
        %dma_start3A_149 = tpu.memref_squeeze %dma_start3A_148 : memref<1x128xi32, #tpu.memory_space<vmem>> -> memref<128xi32, #tpu.memory_space<vmem>>
        %dma_start3A_150 = arith.constant 0 : i32
        %dma_start3A_151 = arith.constant 0 : i32
        %dma_start3A_152 = tpu.memref_slice %arg6[%dma_start3A_150, %dma_start3A_151] : memref<57344x64xf32, #tpu.memory_space<hbm>> -> memref<57344x64xf32, #tpu.memory_space<hbm>>
        tpu.enqueue_indirect_dma source(%dma_start3A_152 : memref<57344x64xf32, #tpu.memory_space<hbm>>) target(%arg12 : memref<128x64xf32, #tpu.memory_space<vmem>>) offsets(%dma_start3A_149 : memref<128xi32, #tpu.memory_space<vmem>>) semaphore(%arg14 : memref<!tpu.dma_semaphore, #tpu.memory_space<semaphore_mem>>)
        %dma_wait3A_153 = arith.constant 3 : i32
        %dma_wait3A_154 = arith.constant 0 : i32
        %dma_wait3A_155 = tpu.memref_slice %arg10[%dma_wait3A_153, %dma_wait3A_154] : memref<8x128xi32, #tpu.memory_space<vmem>> -> memref<1x128xi32, #tpu.memory_space<vmem>>
        %dma_wait3A_156 = tpu.memref_squeeze %dma_wait3A_155 : memref<1x128xi32, #tpu.memory_space<vmem>> -> memref<128xi32, #tpu.memory_space<vmem>>
        %dma_wait3A_157 = arith.constant 0 : i32
        %dma_wait3A_158 = arith.constant 0 : i32
        %dma_wait3A_159 = tpu.memref_slice %arg6[%dma_wait3A_157, %dma_wait3A_158] : memref<57344x64xf32, #tpu.memory_space<hbm>> -> memref<57344x64xf32, #tpu.memory_space<hbm>>
        tpu.wait_indirect_dma semaphore(%arg15 : memref<!tpu.dma_semaphore, #tpu.memory_space<semaphore_mem>>) src(%dma_wait3A_159 : memref<57344x64xf32, #tpu.memory_space<hbm>>) dst(%arg13 : memref<128x64xf32, #tpu.memory_space<vmem>>)
        %dma_start3A_160 = arith.constant 3 : i32
        %dma_start3A_161 = arith.constant 0 : i32
        %dma_start3A_162 = tpu.memref_slice %arg11[%dma_start3A_160, %dma_start3A_161] : memref<8x128xi32, #tpu.memory_space<vmem>> -> memref<1x128xi32, #tpu.memory_space<vmem>>
        %dma_start3A_163 = tpu.memref_squeeze %dma_start3A_162 : memref<1x128xi32, #tpu.memory_space<vmem>> -> memref<128xi32, #tpu.memory_space<vmem>>
        %dma_start3A_164 = arith.constant 0 : i32
        %dma_start3A_165 = arith.constant 0 : i32
        %dma_start3A_166 = tpu.memref_slice %arg9[%dma_start3A_164, %dma_start3A_165] : memref<28032x64xf32, #tpu.memory_space<vmem_shared>> -> memref<28032x64xf32, #tpu.memory_space<vmem_shared>>
        tpu.enqueue_indirect_dma source(%arg13 : memref<128x64xf32, #tpu.memory_space<vmem>>) target(%dma_start3A_166 : memref<28032x64xf32, #tpu.memory_space<vmem_shared>>) offsets(%dma_start3A_163 : memref<128xi32, #tpu.memory_space<vmem>>) semaphore(%arg17 : memref<!tpu.dma_semaphore, #tpu.memory_space<semaphore_mem>>) {add = true}
        %dma_wait3A_167 = arith.constant 3 : i32
        %dma_wait3A_168 = arith.constant 0 : i32
        %dma_wait3A_169 = tpu.memref_slice %arg11[%dma_wait3A_167, %dma_wait3A_168] : memref<8x128xi32, #tpu.memory_space<vmem>> -> memref<1x128xi32, #tpu.memory_space<vmem>>
        %dma_wait3A_170 = tpu.memref_squeeze %dma_wait3A_169 : memref<1x128xi32, #tpu.memory_space<vmem>> -> memref<128xi32, #tpu.memory_space<vmem>>
        %dma_wait3A_171 = arith.constant 0 : i32
        %dma_wait3A_172 = arith.constant 0 : i32
        %dma_wait3A_173 = tpu.memref_slice %arg9[%dma_wait3A_171, %dma_wait3A_172] : memref<28032x64xf32, #tpu.memory_space<vmem_shared>> -> memref<28032x64xf32, #tpu.memory_space<vmem_shared>>
        tpu.wait_indirect_dma semaphore(%arg17 : memref<!tpu.dma_semaphore, #tpu.memory_space<semaphore_mem>>) src(%arg13 : memref<128x64xf32, #tpu.memory_space<vmem>>) dst(%dma_wait3A_173 : memref<28032x64xf32, #tpu.memory_space<vmem_shared>>)
        %dma_start3A_174 = arith.constant 5 : i32
        %dma_start3A_175 = arith.constant 0 : i32
        %dma_start3A_176 = tpu.memref_slice %arg10[%dma_start3A_174, %dma_start3A_175] : memref<8x128xi32, #tpu.memory_space<vmem>> -> memref<1x128xi32, #tpu.memory_space<vmem>>
        %dma_start3A_177 = tpu.memref_squeeze %dma_start3A_176 : memref<1x128xi32, #tpu.memory_space<vmem>> -> memref<128xi32, #tpu.memory_space<vmem>>
        %dma_start3A_178 = arith.constant 0 : i32
        %dma_start3A_179 = arith.constant 0 : i32
        %dma_start3A_180 = tpu.memref_slice %arg6[%dma_start3A_178, %dma_start3A_179] : memref<57344x64xf32, #tpu.memory_space<hbm>> -> memref<57344x64xf32, #tpu.memory_space<hbm>>
        tpu.enqueue_indirect_dma source(%dma_start3A_180 : memref<57344x64xf32, #tpu.memory_space<hbm>>) target(%arg13 : memref<128x64xf32, #tpu.memory_space<vmem>>) offsets(%dma_start3A_177 : memref<128xi32, #tpu.memory_space<vmem>>) semaphore(%arg15 : memref<!tpu.dma_semaphore, #tpu.memory_space<semaphore_mem>>)
        %dma_wait3A_181 = arith.constant 4 : i32
        %dma_wait3A_182 = arith.constant 0 : i32
        %dma_wait3A_183 = tpu.memref_slice %arg10[%dma_wait3A_181, %dma_wait3A_182] : memref<8x128xi32, #tpu.memory_space<vmem>> -> memref<1x128xi32, #tpu.memory_space<vmem>>
        %dma_wait3A_184 = tpu.memref_squeeze %dma_wait3A_183 : memref<1x128xi32, #tpu.memory_space<vmem>> -> memref<128xi32, #tpu.memory_space<vmem>>
        %dma_wait3A_185 = arith.constant 0 : i32
        %dma_wait3A_186 = arith.constant 0 : i32
        %dma_wait3A_187 = tpu.memref_slice %arg6[%dma_wait3A_185, %dma_wait3A_186] : memref<57344x64xf32, #tpu.memory_space<hbm>> -> memref<57344x64xf32, #tpu.memory_space<hbm>>
        tpu.wait_indirect_dma semaphore(%arg14 : memref<!tpu.dma_semaphore, #tpu.memory_space<semaphore_mem>>) src(%dma_wait3A_187 : memref<57344x64xf32, #tpu.memory_space<hbm>>) dst(%arg12 : memref<128x64xf32, #tpu.memory_space<vmem>>)
        %dma_start3A_188 = arith.constant 4 : i32
        %dma_start3A_189 = arith.constant 0 : i32
        %dma_start3A_190 = tpu.memref_slice %arg11[%dma_start3A_188, %dma_start3A_189] : memref<8x128xi32, #tpu.memory_space<vmem>> -> memref<1x128xi32, #tpu.memory_space<vmem>>
        %dma_start3A_191 = tpu.memref_squeeze %dma_start3A_190 : memref<1x128xi32, #tpu.memory_space<vmem>> -> memref<128xi32, #tpu.memory_space<vmem>>
        %dma_start3A_192 = arith.constant 0 : i32
        %dma_start3A_193 = arith.constant 0 : i32
        %dma_start3A_194 = tpu.memref_slice %arg9[%dma_start3A_192, %dma_start3A_193] : memref<28032x64xf32, #tpu.memory_space<vmem_shared>> -> memref<28032x64xf32, #tpu.memory_space<vmem_shared>>
        tpu.enqueue_indirect_dma source(%arg12 : memref<128x64xf32, #tpu.memory_space<vmem>>) target(%dma_start3A_194 : memref<28032x64xf32, #tpu.memory_space<vmem_shared>>) offsets(%dma_start3A_191 : memref<128xi32, #tpu.memory_space<vmem>>) semaphore(%arg16 : memref<!tpu.dma_semaphore, #tpu.memory_space<semaphore_mem>>) {add = true}
        %dma_wait3A_195 = arith.constant 4 : i32
        %dma_wait3A_196 = arith.constant 0 : i32
        %dma_wait3A_197 = tpu.memref_slice %arg11[%dma_wait3A_195, %dma_wait3A_196] : memref<8x128xi32, #tpu.memory_space<vmem>> -> memref<1x128xi32, #tpu.memory_space<vmem>>
        %dma_wait3A_198 = tpu.memref_squeeze %dma_wait3A_197 : memref<1x128xi32, #tpu.memory_space<vmem>> -> memref<128xi32, #tpu.memory_space<vmem>>
        %dma_wait3A_199 = arith.constant 0 : i32
        %dma_wait3A_200 = arith.constant 0 : i32
        %dma_wait3A_201 = tpu.memref_slice %arg9[%dma_wait3A_199, %dma_wait3A_200] : memref<28032x64xf32, #tpu.memory_space<vmem_shared>> -> memref<28032x64xf32, #tpu.memory_space<vmem_shared>>
        tpu.wait_indirect_dma semaphore(%arg16 : memref<!tpu.dma_semaphore, #tpu.memory_space<semaphore_mem>>) src(%arg12 : memref<128x64xf32, #tpu.memory_space<vmem>>) dst(%dma_wait3A_201 : memref<28032x64xf32, #tpu.memory_space<vmem_shared>>)
        %dma_start3A_202 = arith.constant 6 : i32
        %dma_start3A_203 = arith.constant 0 : i32
        %dma_start3A_204 = tpu.memref_slice %arg10[%dma_start3A_202, %dma_start3A_203] : memref<8x128xi32, #tpu.memory_space<vmem>> -> memref<1x128xi32, #tpu.memory_space<vmem>>
        %dma_start3A_205 = tpu.memref_squeeze %dma_start3A_204 : memref<1x128xi32, #tpu.memory_space<vmem>> -> memref<128xi32, #tpu.memory_space<vmem>>
        %dma_start3A_206 = arith.constant 0 : i32
        %dma_start3A_207 = arith.constant 0 : i32
        %dma_start3A_208 = tpu.memref_slice %arg6[%dma_start3A_206, %dma_start3A_207] : memref<57344x64xf32, #tpu.memory_space<hbm>> -> memref<57344x64xf32, #tpu.memory_space<hbm>>
        tpu.enqueue_indirect_dma source(%dma_start3A_208 : memref<57344x64xf32, #tpu.memory_space<hbm>>) target(%arg12 : memref<128x64xf32, #tpu.memory_space<vmem>>) offsets(%dma_start3A_205 : memref<128xi32, #tpu.memory_space<vmem>>) semaphore(%arg14 : memref<!tpu.dma_semaphore, #tpu.memory_space<semaphore_mem>>)
        %dma_wait3A_209 = arith.constant 5 : i32
        %dma_wait3A_210 = arith.constant 0 : i32
        %dma_wait3A_211 = tpu.memref_slice %arg10[%dma_wait3A_209, %dma_wait3A_210] : memref<8x128xi32, #tpu.memory_space<vmem>> -> memref<1x128xi32, #tpu.memory_space<vmem>>
        %dma_wait3A_212 = tpu.memref_squeeze %dma_wait3A_211 : memref<1x128xi32, #tpu.memory_space<vmem>> -> memref<128xi32, #tpu.memory_space<vmem>>
        %dma_wait3A_213 = arith.constant 0 : i32
        %dma_wait3A_214 = arith.constant 0 : i32
        %dma_wait3A_215 = tpu.memref_slice %arg6[%dma_wait3A_213, %dma_wait3A_214] : memref<57344x64xf32, #tpu.memory_space<hbm>> -> memref<57344x64xf32, #tpu.memory_space<hbm>>
        tpu.wait_indirect_dma semaphore(%arg15 : memref<!tpu.dma_semaphore, #tpu.memory_space<semaphore_mem>>) src(%dma_wait3A_215 : memref<57344x64xf32, #tpu.memory_space<hbm>>) dst(%arg13 : memref<128x64xf32, #tpu.memory_space<vmem>>)
        %dma_start3A_216 = arith.constant 5 : i32
        %dma_start3A_217 = arith.constant 0 : i32
        %dma_start3A_218 = tpu.memref_slice %arg11[%dma_start3A_216, %dma_start3A_217] : memref<8x128xi32, #tpu.memory_space<vmem>> -> memref<1x128xi32, #tpu.memory_space<vmem>>
        %dma_start3A_219 = tpu.memref_squeeze %dma_start3A_218 : memref<1x128xi32, #tpu.memory_space<vmem>> -> memref<128xi32, #tpu.memory_space<vmem>>
        %dma_start3A_220 = arith.constant 0 : i32
        %dma_start3A_221 = arith.constant 0 : i32
        %dma_start3A_222 = tpu.memref_slice %arg9[%dma_start3A_220, %dma_start3A_221] : memref<28032x64xf32, #tpu.memory_space<vmem_shared>> -> memref<28032x64xf32, #tpu.memory_space<vmem_shared>>
        tpu.enqueue_indirect_dma source(%arg13 : memref<128x64xf32, #tpu.memory_space<vmem>>) target(%dma_start3A_222 : memref<28032x64xf32, #tpu.memory_space<vmem_shared>>) offsets(%dma_start3A_219 : memref<128xi32, #tpu.memory_space<vmem>>) semaphore(%arg17 : memref<!tpu.dma_semaphore, #tpu.memory_space<semaphore_mem>>) {add = true}
        %dma_wait3A_223 = arith.constant 5 : i32
        %dma_wait3A_224 = arith.constant 0 : i32
        %dma_wait3A_225 = tpu.memref_slice %arg11[%dma_wait3A_223, %dma_wait3A_224] : memref<8x128xi32, #tpu.memory_space<vmem>> -> memref<1x128xi32, #tpu.memory_space<vmem>>
        %dma_wait3A_226 = tpu.memref_squeeze %dma_wait3A_225 : memref<1x128xi32, #tpu.memory_space<vmem>> -> memref<128xi32, #tpu.memory_space<vmem>>
        %dma_wait3A_227 = arith.constant 0 : i32
        %dma_wait3A_228 = arith.constant 0 : i32
        %dma_wait3A_229 = tpu.memref_slice %arg9[%dma_wait3A_227, %dma_wait3A_228] : memref<28032x64xf32, #tpu.memory_space<vmem_shared>> -> memref<28032x64xf32, #tpu.memory_space<vmem_shared>>
        tpu.wait_indirect_dma semaphore(%arg17 : memref<!tpu.dma_semaphore, #tpu.memory_space<semaphore_mem>>) src(%arg13 : memref<128x64xf32, #tpu.memory_space<vmem>>) dst(%dma_wait3A_229 : memref<28032x64xf32, #tpu.memory_space<vmem_shared>>)
        %dma_start3A_230 = arith.constant 7 : i32
        %dma_start3A_231 = arith.constant 0 : i32
        %dma_start3A_232 = tpu.memref_slice %arg10[%dma_start3A_230, %dma_start3A_231] : memref<8x128xi32, #tpu.memory_space<vmem>> -> memref<1x128xi32, #tpu.memory_space<vmem>>
        %dma_start3A_233 = tpu.memref_squeeze %dma_start3A_232 : memref<1x128xi32, #tpu.memory_space<vmem>> -> memref<128xi32, #tpu.memory_space<vmem>>
        %dma_start3A_234 = arith.constant 0 : i32
        %dma_start3A_235 = arith.constant 0 : i32
        %dma_start3A_236 = tpu.memref_slice %arg6[%dma_start3A_234, %dma_start3A_235] : memref<57344x64xf32, #tpu.memory_space<hbm>> -> memref<57344x64xf32, #tpu.memory_space<hbm>>
        tpu.enqueue_indirect_dma source(%dma_start3A_236 : memref<57344x64xf32, #tpu.memory_space<hbm>>) target(%arg13 : memref<128x64xf32, #tpu.memory_space<vmem>>) offsets(%dma_start3A_233 : memref<128xi32, #tpu.memory_space<vmem>>) semaphore(%arg15 : memref<!tpu.dma_semaphore, #tpu.memory_space<semaphore_mem>>)
        %dma_wait3A_237 = arith.constant 6 : i32
        %dma_wait3A_238 = arith.constant 0 : i32
        %dma_wait3A_239 = tpu.memref_slice %arg10[%dma_wait3A_237, %dma_wait3A_238] : memref<8x128xi32, #tpu.memory_space<vmem>> -> memref<1x128xi32, #tpu.memory_space<vmem>>
        %dma_wait3A_240 = tpu.memref_squeeze %dma_wait3A_239 : memref<1x128xi32, #tpu.memory_space<vmem>> -> memref<128xi32, #tpu.memory_space<vmem>>
        %dma_wait3A_241 = arith.constant 0 : i32
        %dma_wait3A_242 = arith.constant 0 : i32
        %dma_wait3A_243 = tpu.memref_slice %arg6[%dma_wait3A_241, %dma_wait3A_242] : memref<57344x64xf32, #tpu.memory_space<hbm>> -> memref<57344x64xf32, #tpu.memory_space<hbm>>
        tpu.wait_indirect_dma semaphore(%arg14 : memref<!tpu.dma_semaphore, #tpu.memory_space<semaphore_mem>>) src(%dma_wait3A_243 : memref<57344x64xf32, #tpu.memory_space<hbm>>) dst(%arg12 : memref<128x64xf32, #tpu.memory_space<vmem>>)
        %dma_start3A_244 = arith.constant 6 : i32
        %dma_start3A_245 = arith.constant 0 : i32
        %dma_start3A_246 = tpu.memref_slice %arg11[%dma_start3A_244, %dma_start3A_245] : memref<8x128xi32, #tpu.memory_space<vmem>> -> memref<1x128xi32, #tpu.memory_space<vmem>>
        %dma_start3A_247 = tpu.memref_squeeze %dma_start3A_246 : memref<1x128xi32, #tpu.memory_space<vmem>> -> memref<128xi32, #tpu.memory_space<vmem>>
        %dma_start3A_248 = arith.constant 0 : i32
        %dma_start3A_249 = arith.constant 0 : i32
        %dma_start3A_250 = tpu.memref_slice %arg9[%dma_start3A_248, %dma_start3A_249] : memref<28032x64xf32, #tpu.memory_space<vmem_shared>> -> memref<28032x64xf32, #tpu.memory_space<vmem_shared>>
        tpu.enqueue_indirect_dma source(%arg12 : memref<128x64xf32, #tpu.memory_space<vmem>>) target(%dma_start3A_250 : memref<28032x64xf32, #tpu.memory_space<vmem_shared>>) offsets(%dma_start3A_247 : memref<128xi32, #tpu.memory_space<vmem>>) semaphore(%arg16 : memref<!tpu.dma_semaphore, #tpu.memory_space<semaphore_mem>>) {add = true}
        %dma_wait3A_251 = arith.constant 7 : i32
        %dma_wait3A_252 = arith.constant 0 : i32
        %dma_wait3A_253 = tpu.memref_slice %arg10[%dma_wait3A_251, %dma_wait3A_252] : memref<8x128xi32, #tpu.memory_space<vmem>> -> memref<1x128xi32, #tpu.memory_space<vmem>>
        %dma_wait3A_254 = tpu.memref_squeeze %dma_wait3A_253 : memref<1x128xi32, #tpu.memory_space<vmem>> -> memref<128xi32, #tpu.memory_space<vmem>>
        %dma_wait3A_255 = arith.constant 0 : i32
        %dma_wait3A_256 = arith.constant 0 : i32
        %dma_wait3A_257 = tpu.memref_slice %arg6[%dma_wait3A_255, %dma_wait3A_256] : memref<57344x64xf32, #tpu.memory_space<hbm>> -> memref<57344x64xf32, #tpu.memory_space<hbm>>
        tpu.wait_indirect_dma semaphore(%arg15 : memref<!tpu.dma_semaphore, #tpu.memory_space<semaphore_mem>>) src(%dma_wait3A_257 : memref<57344x64xf32, #tpu.memory_space<hbm>>) dst(%arg13 : memref<128x64xf32, #tpu.memory_space<vmem>>)
        %dma_start3A_258 = arith.constant 7 : i32
        %dma_start3A_259 = arith.constant 0 : i32
        %dma_start3A_260 = tpu.memref_slice %arg11[%dma_start3A_258, %dma_start3A_259] : memref<8x128xi32, #tpu.memory_space<vmem>> -> memref<1x128xi32, #tpu.memory_space<vmem>>
        %dma_start3A_261 = tpu.memref_squeeze %dma_start3A_260 : memref<1x128xi32, #tpu.memory_space<vmem>> -> memref<128xi32, #tpu.memory_space<vmem>>
        %dma_start3A_262 = arith.constant 0 : i32
        %dma_start3A_263 = arith.constant 0 : i32
        %dma_start3A_264 = tpu.memref_slice %arg9[%dma_start3A_262, %dma_start3A_263] : memref<28032x64xf32, #tpu.memory_space<vmem_shared>> -> memref<28032x64xf32, #tpu.memory_space<vmem_shared>>
        tpu.enqueue_indirect_dma source(%arg13 : memref<128x64xf32, #tpu.memory_space<vmem>>) target(%dma_start3A_264 : memref<28032x64xf32, #tpu.memory_space<vmem_shared>>) offsets(%dma_start3A_261 : memref<128xi32, #tpu.memory_space<vmem>>) semaphore(%arg17 : memref<!tpu.dma_semaphore, #tpu.memory_space<semaphore_mem>>) {add = true}
        %dma_wait3A_265 = arith.constant 6 : i32
        %dma_wait3A_266 = arith.constant 0 : i32
        %dma_wait3A_267 = tpu.memref_slice %arg11[%dma_wait3A_265, %dma_wait3A_266] : memref<8x128xi32, #tpu.memory_space<vmem>> -> memref<1x128xi32, #tpu.memory_space<vmem>>
        %dma_wait3A_268 = tpu.memref_squeeze %dma_wait3A_267 : memref<1x128xi32, #tpu.memory_space<vmem>> -> memref<128xi32, #tpu.memory_space<vmem>>
        %dma_wait3A_269 = arith.constant 0 : i32
        %dma_wait3A_270 = arith.constant 0 : i32
        %dma_wait3A_271 = tpu.memref_slice %arg9[%dma_wait3A_269, %dma_wait3A_270] : memref<28032x64xf32, #tpu.memory_space<vmem_shared>> -> memref<28032x64xf32, #tpu.memory_space<vmem_shared>>
        tpu.wait_indirect_dma semaphore(%arg16 : memref<!tpu.dma_semaphore, #tpu.memory_space<semaphore_mem>>) src(%arg12 : memref<128x64xf32, #tpu.memory_space<vmem>>) dst(%dma_wait3A_271 : memref<28032x64xf32, #tpu.memory_space<vmem_shared>>)
        %dma_wait3A_272 = arith.constant 7 : i32
        %dma_wait3A_273 = arith.constant 0 : i32
        %dma_wait3A_274 = tpu.memref_slice %arg11[%dma_wait3A_272, %dma_wait3A_273] : memref<8x128xi32, #tpu.memory_space<vmem>> -> memref<1x128xi32, #tpu.memory_space<vmem>>
        %dma_wait3A_275 = tpu.memref_squeeze %dma_wait3A_274 : memref<1x128xi32, #tpu.memory_space<vmem>> -> memref<128xi32, #tpu.memory_space<vmem>>
        %dma_wait3A_276 = arith.constant 0 : i32
        %dma_wait3A_277 = arith.constant 0 : i32
        %dma_wait3A_278 = tpu.memref_slice %arg9[%dma_wait3A_276, %dma_wait3A_277] : memref<28032x64xf32, #tpu.memory_space<vmem_shared>> -> memref<28032x64xf32, #tpu.memory_space<vmem_shared>>
        tpu.wait_indirect_dma semaphore(%arg17 : memref<!tpu.dma_semaphore, #tpu.memory_space<semaphore_mem>>) src(%arg13 : memref<128x64xf32, #tpu.memory_space<vmem>>) dst(%dma_wait3A_278 : memref<28032x64xf32, #tpu.memory_space<vmem_shared>>)
      }
      %scan3A_50 = arith.constant 16 : i32
    } else {
    }
    %eq3A_30 = arith.constant 1 : i32
    %eq3A_31 = arith.cmpi eq, %arg0, %eq3A_30 : i32
    %convert_element_type3A_32 = arith.extui %eq3A_31 : i1 to i32
    %cond3A_33 = arith.constant 0 : i32
    %cond3A_34 = arith.cmpi ne, %convert_element_type3A_32, %cond3A_33 : i32
    scf.if %cond3A_34 {
      %scan3A = arith.constant 0 : i32
      %scan3A_46 = arith.constant 0 : i32
      %scan3A_47 = arith.constant 16 : i32
      %scan3A_48 = arith.addi %scan3A_46, %scan3A_47 : i32
      %scan3A_49 = arith.constant 1 : i32
      scf.for %scan3A_51 = %scan3A_46 to %scan3A_48 step %scan3A_49  : i32 {
        %mul3A_52 = arith.constant 128 : i32
        %mul3A_53 = arith.muli %arg1, %mul3A_52 : i32
        %mul3A_54 = arith.constant 8 : i32
        %mul3A_55 = arith.muli %scan3A_51, %mul3A_54 : i32
        %add3A_56 = arith.addi %mul3A_53, %mul3A_55 : i32
        "tpu.region"() ({
          %run_scoped3A = tpu.sem_alloc : memref<!tpu.dma_semaphore, #tpu.memory_space<semaphore_mem>>
          %dma_start3A_279 = arith.constant 0 : i32
          %dma_start3A_280 = tpu.memref_slice %arg4[%add3A_56, %dma_start3A_279] : memref<2048x128xi32, #tpu.memory_space<hbm>> -> memref<8x128xi32, #tpu.memory_space<hbm>>
          %dma_start3A_281 = arith.constant 0 : i32
          %dma_start3A_282 = tpu.memref_slice %arg4[%add3A_56, %dma_start3A_281] : memref<2048x128xi32, #tpu.memory_space<hbm>> -> memref<8x128xi32, #tpu.memory_space<hbm>>
          tpu.enqueue_dma source(%dma_start3A_282 : memref<8x128xi32, #tpu.memory_space<hbm>>) target(%arg10 : memref<8x128xi32, #tpu.memory_space<vmem>>) target_semaphore(%run_scoped3A : memref<!tpu.dma_semaphore, #tpu.memory_space<semaphore_mem>>)
          %dma_wait3A_283 = arith.constant 0 : i32
          %dma_wait3A_284 = tpu.memref_slice %arg4[%add3A_56, %dma_wait3A_283] : memref<2048x128xi32, #tpu.memory_space<hbm>> -> memref<8x128xi32, #tpu.memory_space<hbm>>
          %dma_wait3A_285 = arith.constant 0 : i32
          %dma_wait3A_286 = tpu.memref_slice %arg4[%add3A_56, %dma_wait3A_285] : memref<2048x128xi32, #tpu.memory_space<hbm>> -> memref<8x128xi32, #tpu.memory_space<hbm>>
          tpu.wait_dma2 semaphore(%run_scoped3A : memref<!tpu.dma_semaphore, #tpu.memory_space<semaphore_mem>>) src(%dma_wait3A_286 : memref<8x128xi32, #tpu.memory_space<hbm>>) dst(%arg10 : memref<8x128xi32, #tpu.memory_space<vmem>>)
          tpu.yield
        }) : () -> ()
        "tpu.region"() ({
          %run_scoped3A = tpu.sem_alloc : memref<!tpu.dma_semaphore, #tpu.memory_space<semaphore_mem>>
          %dma_start3A_279 = arith.constant 0 : i32
          %dma_start3A_280 = tpu.memref_slice %arg5[%add3A_56, %dma_start3A_279] : memref<2048x128xi32, #tpu.memory_space<hbm>> -> memref<8x128xi32, #tpu.memory_space<hbm>>
          %dma_start3A_281 = arith.constant 0 : i32
          %dma_start3A_282 = tpu.memref_slice %arg5[%add3A_56, %dma_start3A_281] : memref<2048x128xi32, #tpu.memory_space<hbm>> -> memref<8x128xi32, #tpu.memory_space<hbm>>
          tpu.enqueue_dma source(%dma_start3A_282 : memref<8x128xi32, #tpu.memory_space<hbm>>) target(%arg11 : memref<8x128xi32, #tpu.memory_space<vmem>>) target_semaphore(%run_scoped3A : memref<!tpu.dma_semaphore, #tpu.memory_space<semaphore_mem>>)
          %dma_wait3A_283 = arith.constant 0 : i32
          %dma_wait3A_284 = tpu.memref_slice %arg5[%add3A_56, %dma_wait3A_283] : memref<2048x128xi32, #tpu.memory_space<hbm>> -> memref<8x128xi32, #tpu.memory_space<hbm>>
          %dma_wait3A_285 = arith.constant 0 : i32
          %dma_wait3A_286 = tpu.memref_slice %arg5[%add3A_56, %dma_wait3A_285] : memref<2048x128xi32, #tpu.memory_space<hbm>> -> memref<8x128xi32, #tpu.memory_space<hbm>>
          tpu.wait_dma2 semaphore(%run_scoped3A : memref<!tpu.dma_semaphore, #tpu.memory_space<semaphore_mem>>) src(%dma_wait3A_286 : memref<8x128xi32, #tpu.memory_space<hbm>>) dst(%arg11 : memref<8x128xi32, #tpu.memory_space<vmem>>)
          tpu.yield
        }) : () -> ()
        %dma_start3A = arith.constant 0 : i32
        %dma_start3A_57 = arith.constant 0 : i32
        %dma_start3A_58 = tpu.memref_slice %arg10[%dma_start3A, %dma_start3A_57] : memref<8x128xi32, #tpu.memory_space<vmem>> -> memref<1x128xi32, #tpu.memory_space<vmem>>
        %dma_start3A_59 = tpu.memref_squeeze %dma_start3A_58 : memref<1x128xi32, #tpu.memory_space<vmem>> -> memref<128xi32, #tpu.memory_space<vmem>>
        %dma_start3A_60 = arith.constant 0 : i32
        %dma_start3A_61 = arith.constant 0 : i32
        %dma_start3A_62 = tpu.memref_slice %arg6[%dma_start3A_60, %dma_start3A_61] : memref<57344x64xf32, #tpu.memory_space<hbm>> -> memref<57344x64xf32, #tpu.memory_space<hbm>>
        tpu.enqueue_indirect_dma source(%dma_start3A_62 : memref<57344x64xf32, #tpu.memory_space<hbm>>) target(%arg12 : memref<128x64xf32, #tpu.memory_space<vmem>>) offsets(%dma_start3A_59 : memref<128xi32, #tpu.memory_space<vmem>>) semaphore(%arg14 : memref<!tpu.dma_semaphore, #tpu.memory_space<semaphore_mem>>)
        %dma_start3A_63 = arith.constant 1 : i32
        %dma_start3A_64 = arith.constant 0 : i32
        %dma_start3A_65 = tpu.memref_slice %arg10[%dma_start3A_63, %dma_start3A_64] : memref<8x128xi32, #tpu.memory_space<vmem>> -> memref<1x128xi32, #tpu.memory_space<vmem>>
        %dma_start3A_66 = tpu.memref_squeeze %dma_start3A_65 : memref<1x128xi32, #tpu.memory_space<vmem>> -> memref<128xi32, #tpu.memory_space<vmem>>
        %dma_start3A_67 = arith.constant 0 : i32
        %dma_start3A_68 = arith.constant 0 : i32
        %dma_start3A_69 = tpu.memref_slice %arg6[%dma_start3A_67, %dma_start3A_68] : memref<57344x64xf32, #tpu.memory_space<hbm>> -> memref<57344x64xf32, #tpu.memory_space<hbm>>
        tpu.enqueue_indirect_dma source(%dma_start3A_69 : memref<57344x64xf32, #tpu.memory_space<hbm>>) target(%arg13 : memref<128x64xf32, #tpu.memory_space<vmem>>) offsets(%dma_start3A_66 : memref<128xi32, #tpu.memory_space<vmem>>) semaphore(%arg15 : memref<!tpu.dma_semaphore, #tpu.memory_space<semaphore_mem>>)
        %dma_wait3A = arith.constant 0 : i32
        %dma_wait3A_70 = arith.constant 0 : i32
        %dma_wait3A_71 = tpu.memref_slice %arg10[%dma_wait3A, %dma_wait3A_70] : memref<8x128xi32, #tpu.memory_space<vmem>> -> memref<1x128xi32, #tpu.memory_space<vmem>>
        %dma_wait3A_72 = tpu.memref_squeeze %dma_wait3A_71 : memref<1x128xi32, #tpu.memory_space<vmem>> -> memref<128xi32, #tpu.memory_space<vmem>>
        %dma_wait3A_73 = arith.constant 0 : i32
        %dma_wait3A_74 = arith.constant 0 : i32
        %dma_wait3A_75 = tpu.memref_slice %arg6[%dma_wait3A_73, %dma_wait3A_74] : memref<57344x64xf32, #tpu.memory_space<hbm>> -> memref<57344x64xf32, #tpu.memory_space<hbm>>
        tpu.wait_indirect_dma semaphore(%arg14 : memref<!tpu.dma_semaphore, #tpu.memory_space<semaphore_mem>>) src(%dma_wait3A_75 : memref<57344x64xf32, #tpu.memory_space<hbm>>) dst(%arg12 : memref<128x64xf32, #tpu.memory_space<vmem>>)
        %dma_start3A_76 = arith.constant 0 : i32
        %dma_start3A_77 = arith.constant 0 : i32
        %dma_start3A_78 = tpu.memref_slice %arg11[%dma_start3A_76, %dma_start3A_77] : memref<8x128xi32, #tpu.memory_space<vmem>> -> memref<1x128xi32, #tpu.memory_space<vmem>>
        %dma_start3A_79 = tpu.memref_squeeze %dma_start3A_78 : memref<1x128xi32, #tpu.memory_space<vmem>> -> memref<128xi32, #tpu.memory_space<vmem>>
        %dma_start3A_80 = arith.constant 0 : i32
        %dma_start3A_81 = arith.constant 0 : i32
        %dma_start3A_82 = tpu.memref_slice %arg9[%dma_start3A_80, %dma_start3A_81] : memref<28032x64xf32, #tpu.memory_space<vmem_shared>> -> memref<28032x64xf32, #tpu.memory_space<vmem_shared>>
        tpu.enqueue_indirect_dma source(%arg12 : memref<128x64xf32, #tpu.memory_space<vmem>>) target(%dma_start3A_82 : memref<28032x64xf32, #tpu.memory_space<vmem_shared>>) offsets(%dma_start3A_79 : memref<128xi32, #tpu.memory_space<vmem>>) semaphore(%arg16 : memref<!tpu.dma_semaphore, #tpu.memory_space<semaphore_mem>>) {add = true}
        %dma_wait3A_83 = arith.constant 0 : i32
        %dma_wait3A_84 = arith.constant 0 : i32
        %dma_wait3A_85 = tpu.memref_slice %arg11[%dma_wait3A_83, %dma_wait3A_84] : memref<8x128xi32, #tpu.memory_space<vmem>> -> memref<1x128xi32, #tpu.memory_space<vmem>>
        %dma_wait3A_86 = tpu.memref_squeeze %dma_wait3A_85 : memref<1x128xi32, #tpu.memory_space<vmem>> -> memref<128xi32, #tpu.memory_space<vmem>>
        %dma_wait3A_87 = arith.constant 0 : i32
        %dma_wait3A_88 = arith.constant 0 : i32
        %dma_wait3A_89 = tpu.memref_slice %arg9[%dma_wait3A_87, %dma_wait3A_88] : memref<28032x64xf32, #tpu.memory_space<vmem_shared>> -> memref<28032x64xf32, #tpu.memory_space<vmem_shared>>
        tpu.wait_indirect_dma semaphore(%arg16 : memref<!tpu.dma_semaphore, #tpu.memory_space<semaphore_mem>>) src(%arg12 : memref<128x64xf32, #tpu.memory_space<vmem>>) dst(%dma_wait3A_89 : memref<28032x64xf32, #tpu.memory_space<vmem_shared>>)
        %dma_start3A_90 = arith.constant 2 : i32
        %dma_start3A_91 = arith.constant 0 : i32
        %dma_start3A_92 = tpu.memref_slice %arg10[%dma_start3A_90, %dma_start3A_91] : memref<8x128xi32, #tpu.memory_space<vmem>> -> memref<1x128xi32, #tpu.memory_space<vmem>>
        %dma_start3A_93 = tpu.memref_squeeze %dma_start3A_92 : memref<1x128xi32, #tpu.memory_space<vmem>> -> memref<128xi32, #tpu.memory_space<vmem>>
        %dma_start3A_94 = arith.constant 0 : i32
        %dma_start3A_95 = arith.constant 0 : i32
        %dma_start3A_96 = tpu.memref_slice %arg6[%dma_start3A_94, %dma_start3A_95] : memref<57344x64xf32, #tpu.memory_space<hbm>> -> memref<57344x64xf32, #tpu.memory_space<hbm>>
        tpu.enqueue_indirect_dma source(%dma_start3A_96 : memref<57344x64xf32, #tpu.memory_space<hbm>>) target(%arg12 : memref<128x64xf32, #tpu.memory_space<vmem>>) offsets(%dma_start3A_93 : memref<128xi32, #tpu.memory_space<vmem>>) semaphore(%arg14 : memref<!tpu.dma_semaphore, #tpu.memory_space<semaphore_mem>>)
        %dma_wait3A_97 = arith.constant 1 : i32
        %dma_wait3A_98 = arith.constant 0 : i32
        %dma_wait3A_99 = tpu.memref_slice %arg10[%dma_wait3A_97, %dma_wait3A_98] : memref<8x128xi32, #tpu.memory_space<vmem>> -> memref<1x128xi32, #tpu.memory_space<vmem>>
        %dma_wait3A_100 = tpu.memref_squeeze %dma_wait3A_99 : memref<1x128xi32, #tpu.memory_space<vmem>> -> memref<128xi32, #tpu.memory_space<vmem>>
        %dma_wait3A_101 = arith.constant 0 : i32
        %dma_wait3A_102 = arith.constant 0 : i32
        %dma_wait3A_103 = tpu.memref_slice %arg6[%dma_wait3A_101, %dma_wait3A_102] : memref<57344x64xf32, #tpu.memory_space<hbm>> -> memref<57344x64xf32, #tpu.memory_space<hbm>>
        tpu.wait_indirect_dma semaphore(%arg15 : memref<!tpu.dma_semaphore, #tpu.memory_space<semaphore_mem>>) src(%dma_wait3A_103 : memref<57344x64xf32, #tpu.memory_space<hbm>>) dst(%arg13 : memref<128x64xf32, #tpu.memory_space<vmem>>)
        %dma_start3A_104 = arith.constant 1 : i32
        %dma_start3A_105 = arith.constant 0 : i32
        %dma_start3A_106 = tpu.memref_slice %arg11[%dma_start3A_104, %dma_start3A_105] : memref<8x128xi32, #tpu.memory_space<vmem>> -> memref<1x128xi32, #tpu.memory_space<vmem>>
        %dma_start3A_107 = tpu.memref_squeeze %dma_start3A_106 : memref<1x128xi32, #tpu.memory_space<vmem>> -> memref<128xi32, #tpu.memory_space<vmem>>
        %dma_start3A_108 = arith.constant 0 : i32
        %dma_start3A_109 = arith.constant 0 : i32
        %dma_start3A_110 = tpu.memref_slice %arg9[%dma_start3A_108, %dma_start3A_109] : memref<28032x64xf32, #tpu.memory_space<vmem_shared>> -> memref<28032x64xf32, #tpu.memory_space<vmem_shared>>
        tpu.enqueue_indirect_dma source(%arg13 : memref<128x64xf32, #tpu.memory_space<vmem>>) target(%dma_start3A_110 : memref<28032x64xf32, #tpu.memory_space<vmem_shared>>) offsets(%dma_start3A_107 : memref<128xi32, #tpu.memory_space<vmem>>) semaphore(%arg17 : memref<!tpu.dma_semaphore, #tpu.memory_space<semaphore_mem>>) {add = true}
        %dma_wait3A_111 = arith.constant 1 : i32
        %dma_wait3A_112 = arith.constant 0 : i32
        %dma_wait3A_113 = tpu.memref_slice %arg11[%dma_wait3A_111, %dma_wait3A_112] : memref<8x128xi32, #tpu.memory_space<vmem>> -> memref<1x128xi32, #tpu.memory_space<vmem>>
        %dma_wait3A_114 = tpu.memref_squeeze %dma_wait3A_113 : memref<1x128xi32, #tpu.memory_space<vmem>> -> memref<128xi32, #tpu.memory_space<vmem>>
        %dma_wait3A_115 = arith.constant 0 : i32
        %dma_wait3A_116 = arith.constant 0 : i32
        %dma_wait3A_117 = tpu.memref_slice %arg9[%dma_wait3A_115, %dma_wait3A_116] : memref<28032x64xf32, #tpu.memory_space<vmem_shared>> -> memref<28032x64xf32, #tpu.memory_space<vmem_shared>>
        tpu.wait_indirect_dma semaphore(%arg17 : memref<!tpu.dma_semaphore, #tpu.memory_space<semaphore_mem>>) src(%arg13 : memref<128x64xf32, #tpu.memory_space<vmem>>) dst(%dma_wait3A_117 : memref<28032x64xf32, #tpu.memory_space<vmem_shared>>)
        %dma_start3A_118 = arith.constant 3 : i32
        %dma_start3A_119 = arith.constant 0 : i32
        %dma_start3A_120 = tpu.memref_slice %arg10[%dma_start3A_118, %dma_start3A_119] : memref<8x128xi32, #tpu.memory_space<vmem>> -> memref<1x128xi32, #tpu.memory_space<vmem>>
        %dma_start3A_121 = tpu.memref_squeeze %dma_start3A_120 : memref<1x128xi32, #tpu.memory_space<vmem>> -> memref<128xi32, #tpu.memory_space<vmem>>
        %dma_start3A_122 = arith.constant 0 : i32
        %dma_start3A_123 = arith.constant 0 : i32
        %dma_start3A_124 = tpu.memref_slice %arg6[%dma_start3A_122, %dma_start3A_123] : memref<57344x64xf32, #tpu.memory_space<hbm>> -> memref<57344x64xf32, #tpu.memory_space<hbm>>
        tpu.enqueue_indirect_dma source(%dma_start3A_124 : memref<57344x64xf32, #tpu.memory_space<hbm>>) target(%arg13 : memref<128x64xf32, #tpu.memory_space<vmem>>) offsets(%dma_start3A_121 : memref<128xi32, #tpu.memory_space<vmem>>) semaphore(%arg15 : memref<!tpu.dma_semaphore, #tpu.memory_space<semaphore_mem>>)
        %dma_wait3A_125 = arith.constant 2 : i32
        %dma_wait3A_126 = arith.constant 0 : i32
        %dma_wait3A_127 = tpu.memref_slice %arg10[%dma_wait3A_125, %dma_wait3A_126] : memref<8x128xi32, #tpu.memory_space<vmem>> -> memref<1x128xi32, #tpu.memory_space<vmem>>
        %dma_wait3A_128 = tpu.memref_squeeze %dma_wait3A_127 : memref<1x128xi32, #tpu.memory_space<vmem>> -> memref<128xi32, #tpu.memory_space<vmem>>
        %dma_wait3A_129 = arith.constant 0 : i32
        %dma_wait3A_130 = arith.constant 0 : i32
        %dma_wait3A_131 = tpu.memref_slice %arg6[%dma_wait3A_129, %dma_wait3A_130] : memref<57344x64xf32, #tpu.memory_space<hbm>> -> memref<57344x64xf32, #tpu.memory_space<hbm>>
        tpu.wait_indirect_dma semaphore(%arg14 : memref<!tpu.dma_semaphore, #tpu.memory_space<semaphore_mem>>) src(%dma_wait3A_131 : memref<57344x64xf32, #tpu.memory_space<hbm>>) dst(%arg12 : memref<128x64xf32, #tpu.memory_space<vmem>>)
        %dma_start3A_132 = arith.constant 2 : i32
        %dma_start3A_133 = arith.constant 0 : i32
        %dma_start3A_134 = tpu.memref_slice %arg11[%dma_start3A_132, %dma_start3A_133] : memref<8x128xi32, #tpu.memory_space<vmem>> -> memref<1x128xi32, #tpu.memory_space<vmem>>
        %dma_start3A_135 = tpu.memref_squeeze %dma_start3A_134 : memref<1x128xi32, #tpu.memory_space<vmem>> -> memref<128xi32, #tpu.memory_space<vmem>>
        %dma_start3A_136 = arith.constant 0 : i32
        %dma_start3A_137 = arith.constant 0 : i32
        %dma_start3A_138 = tpu.memref_slice %arg9[%dma_start3A_136, %dma_start3A_137] : memref<28032x64xf32, #tpu.memory_space<vmem_shared>> -> memref<28032x64xf32, #tpu.memory_space<vmem_shared>>
        tpu.enqueue_indirect_dma source(%arg12 : memref<128x64xf32, #tpu.memory_space<vmem>>) target(%dma_start3A_138 : memref<28032x64xf32, #tpu.memory_space<vmem_shared>>) offsets(%dma_start3A_135 : memref<128xi32, #tpu.memory_space<vmem>>) semaphore(%arg16 : memref<!tpu.dma_semaphore, #tpu.memory_space<semaphore_mem>>) {add = true}
        %dma_wait3A_139 = arith.constant 2 : i32
        %dma_wait3A_140 = arith.constant 0 : i32
        %dma_wait3A_141 = tpu.memref_slice %arg11[%dma_wait3A_139, %dma_wait3A_140] : memref<8x128xi32, #tpu.memory_space<vmem>> -> memref<1x128xi32, #tpu.memory_space<vmem>>
        %dma_wait3A_142 = tpu.memref_squeeze %dma_wait3A_141 : memref<1x128xi32, #tpu.memory_space<vmem>> -> memref<128xi32, #tpu.memory_space<vmem>>
        %dma_wait3A_143 = arith.constant 0 : i32
        %dma_wait3A_144 = arith.constant 0 : i32
        %dma_wait3A_145 = tpu.memref_slice %arg9[%dma_wait3A_143, %dma_wait3A_144] : memref<28032x64xf32, #tpu.memory_space<vmem_shared>> -> memref<28032x64xf32, #tpu.memory_space<vmem_shared>>
        tpu.wait_indirect_dma semaphore(%arg16 : memref<!tpu.dma_semaphore, #tpu.memory_space<semaphore_mem>>) src(%arg12 : memref<128x64xf32, #tpu.memory_space<vmem>>) dst(%dma_wait3A_145 : memref<28032x64xf32, #tpu.memory_space<vmem_shared>>)
        %dma_start3A_146 = arith.constant 4 : i32
        %dma_start3A_147 = arith.constant 0 : i32
        %dma_start3A_148 = tpu.memref_slice %arg10[%dma_start3A_146, %dma_start3A_147] : memref<8x128xi32, #tpu.memory_space<vmem>> -> memref<1x128xi32, #tpu.memory_space<vmem>>
        %dma_start3A_149 = tpu.memref_squeeze %dma_start3A_148 : memref<1x128xi32, #tpu.memory_space<vmem>> -> memref<128xi32, #tpu.memory_space<vmem>>
        %dma_start3A_150 = arith.constant 0 : i32
        %dma_start3A_151 = arith.constant 0 : i32
        %dma_start3A_152 = tpu.memref_slice %arg6[%dma_start3A_150, %dma_start3A_151] : memref<57344x64xf32, #tpu.memory_space<hbm>> -> memref<57344x64xf32, #tpu.memory_space<hbm>>
        tpu.enqueue_indirect_dma source(%dma_start3A_152 : memref<57344x64xf32, #tpu.memory_space<hbm>>) target(%arg12 : memref<128x64xf32, #tpu.memory_space<vmem>>) offsets(%dma_start3A_149 : memref<128xi32, #tpu.memory_space<vmem>>) semaphore(%arg14 : memref<!tpu.dma_semaphore, #tpu.memory_space<semaphore_mem>>)
        %dma_wait3A_153 = arith.constant 3 : i32
        %dma_wait3A_154 = arith.constant 0 : i32
        %dma_wait3A_155 = tpu.memref_slice %arg10[%dma_wait3A_153, %dma_wait3A_154] : memref<8x128xi32, #tpu.memory_space<vmem>> -> memref<1x128xi32, #tpu.memory_space<vmem>>
        %dma_wait3A_156 = tpu.memref_squeeze %dma_wait3A_155 : memref<1x128xi32, #tpu.memory_space<vmem>> -> memref<128xi32, #tpu.memory_space<vmem>>
        %dma_wait3A_157 = arith.constant 0 : i32
        %dma_wait3A_158 = arith.constant 0 : i32
        %dma_wait3A_159 = tpu.memref_slice %arg6[%dma_wait3A_157, %dma_wait3A_158] : memref<57344x64xf32, #tpu.memory_space<hbm>> -> memref<57344x64xf32, #tpu.memory_space<hbm>>
        tpu.wait_indirect_dma semaphore(%arg15 : memref<!tpu.dma_semaphore, #tpu.memory_space<semaphore_mem>>) src(%dma_wait3A_159 : memref<57344x64xf32, #tpu.memory_space<hbm>>) dst(%arg13 : memref<128x64xf32, #tpu.memory_space<vmem>>)
        %dma_start3A_160 = arith.constant 3 : i32
        %dma_start3A_161 = arith.constant 0 : i32
        %dma_start3A_162 = tpu.memref_slice %arg11[%dma_start3A_160, %dma_start3A_161] : memref<8x128xi32, #tpu.memory_space<vmem>> -> memref<1x128xi32, #tpu.memory_space<vmem>>
        %dma_start3A_163 = tpu.memref_squeeze %dma_start3A_162 : memref<1x128xi32, #tpu.memory_space<vmem>> -> memref<128xi32, #tpu.memory_space<vmem>>
        %dma_start3A_164 = arith.constant 0 : i32
        %dma_start3A_165 = arith.constant 0 : i32
        %dma_start3A_166 = tpu.memref_slice %arg9[%dma_start3A_164, %dma_start3A_165] : memref<28032x64xf32, #tpu.memory_space<vmem_shared>> -> memref<28032x64xf32, #tpu.memory_space<vmem_shared>>
        tpu.enqueue_indirect_dma source(%arg13 : memref<128x64xf32, #tpu.memory_space<vmem>>) target(%dma_start3A_166 : memref<28032x64xf32, #tpu.memory_space<vmem_shared>>) offsets(%dma_start3A_163 : memref<128xi32, #tpu.memory_space<vmem>>) semaphore(%arg17 : memref<!tpu.dma_semaphore, #tpu.memory_space<semaphore_mem>>) {add = true}
        %dma_wait3A_167 = arith.constant 3 : i32
        %dma_wait3A_168 = arith.constant 0 : i32
        %dma_wait3A_169 = tpu.memref_slice %arg11[%dma_wait3A_167, %dma_wait3A_168] : memref<8x128xi32, #tpu.memory_space<vmem>> -> memref<1x128xi32, #tpu.memory_space<vmem>>
        %dma_wait3A_170 = tpu.memref_squeeze %dma_wait3A_169 : memref<1x128xi32, #tpu.memory_space<vmem>> -> memref<128xi32, #tpu.memory_space<vmem>>
        %dma_wait3A_171 = arith.constant 0 : i32
        %dma_wait3A_172 = arith.constant 0 : i32
        %dma_wait3A_173 = tpu.memref_slice %arg9[%dma_wait3A_171, %dma_wait3A_172] : memref<28032x64xf32, #tpu.memory_space<vmem_shared>> -> memref<28032x64xf32, #tpu.memory_space<vmem_shared>>
        tpu.wait_indirect_dma semaphore(%arg17 : memref<!tpu.dma_semaphore, #tpu.memory_space<semaphore_mem>>) src(%arg13 : memref<128x64xf32, #tpu.memory_space<vmem>>) dst(%dma_wait3A_173 : memref<28032x64xf32, #tpu.memory_space<vmem_shared>>)
        %dma_start3A_174 = arith.constant 5 : i32
        %dma_start3A_175 = arith.constant 0 : i32
        %dma_start3A_176 = tpu.memref_slice %arg10[%dma_start3A_174, %dma_start3A_175] : memref<8x128xi32, #tpu.memory_space<vmem>> -> memref<1x128xi32, #tpu.memory_space<vmem>>
        %dma_start3A_177 = tpu.memref_squeeze %dma_start3A_176 : memref<1x128xi32, #tpu.memory_space<vmem>> -> memref<128xi32, #tpu.memory_space<vmem>>
        %dma_start3A_178 = arith.constant 0 : i32
        %dma_start3A_179 = arith.constant 0 : i32
        %dma_start3A_180 = tpu.memref_slice %arg6[%dma_start3A_178, %dma_start3A_179] : memref<57344x64xf32, #tpu.memory_space<hbm>> -> memref<57344x64xf32, #tpu.memory_space<hbm>>
        tpu.enqueue_indirect_dma source(%dma_start3A_180 : memref<57344x64xf32, #tpu.memory_space<hbm>>) target(%arg13 : memref<128x64xf32, #tpu.memory_space<vmem>>) offsets(%dma_start3A_177 : memref<128xi32, #tpu.memory_space<vmem>>) semaphore(%arg15 : memref<!tpu.dma_semaphore, #tpu.memory_space<semaphore_mem>>)
        %dma_wait3A_181 = arith.constant 4 : i32
        %dma_wait3A_182 = arith.constant 0 : i32
        %dma_wait3A_183 = tpu.memref_slice %arg10[%dma_wait3A_181, %dma_wait3A_182] : memref<8x128xi32, #tpu.memory_space<vmem>> -> memref<1x128xi32, #tpu.memory_space<vmem>>
        %dma_wait3A_184 = tpu.memref_squeeze %dma_wait3A_183 : memref<1x128xi32, #tpu.memory_space<vmem>> -> memref<128xi32, #tpu.memory_space<vmem>>
        %dma_wait3A_185 = arith.constant 0 : i32
        %dma_wait3A_186 = arith.constant 0 : i32
        %dma_wait3A_187 = tpu.memref_slice %arg6[%dma_wait3A_185, %dma_wait3A_186] : memref<57344x64xf32, #tpu.memory_space<hbm>> -> memref<57344x64xf32, #tpu.memory_space<hbm>>
        tpu.wait_indirect_dma semaphore(%arg14 : memref<!tpu.dma_semaphore, #tpu.memory_space<semaphore_mem>>) src(%dma_wait3A_187 : memref<57344x64xf32, #tpu.memory_space<hbm>>) dst(%arg12 : memref<128x64xf32, #tpu.memory_space<vmem>>)
        %dma_start3A_188 = arith.constant 4 : i32
        %dma_start3A_189 = arith.constant 0 : i32
        %dma_start3A_190 = tpu.memref_slice %arg11[%dma_start3A_188, %dma_start3A_189] : memref<8x128xi32, #tpu.memory_space<vmem>> -> memref<1x128xi32, #tpu.memory_space<vmem>>
        %dma_start3A_191 = tpu.memref_squeeze %dma_start3A_190 : memref<1x128xi32, #tpu.memory_space<vmem>> -> memref<128xi32, #tpu.memory_space<vmem>>
        %dma_start3A_192 = arith.constant 0 : i32
        %dma_start3A_193 = arith.constant 0 : i32
        %dma_start3A_194 = tpu.memref_slice %arg9[%dma_start3A_192, %dma_start3A_193] : memref<28032x64xf32, #tpu.memory_space<vmem_shared>> -> memref<28032x64xf32, #tpu.memory_space<vmem_shared>>
        tpu.enqueue_indirect_dma source(%arg12 : memref<128x64xf32, #tpu.memory_space<vmem>>) target(%dma_start3A_194 : memref<28032x64xf32, #tpu.memory_space<vmem_shared>>) offsets(%dma_start3A_191 : memref<128xi32, #tpu.memory_space<vmem>>) semaphore(%arg16 : memref<!tpu.dma_semaphore, #tpu.memory_space<semaphore_mem>>) {add = true}
        %dma_wait3A_195 = arith.constant 4 : i32
        %dma_wait3A_196 = arith.constant 0 : i32
        %dma_wait3A_197 = tpu.memref_slice %arg11[%dma_wait3A_195, %dma_wait3A_196] : memref<8x128xi32, #tpu.memory_space<vmem>> -> memref<1x128xi32, #tpu.memory_space<vmem>>
        %dma_wait3A_198 = tpu.memref_squeeze %dma_wait3A_197 : memref<1x128xi32, #tpu.memory_space<vmem>> -> memref<128xi32, #tpu.memory_space<vmem>>
        %dma_wait3A_199 = arith.constant 0 : i32
        %dma_wait3A_200 = arith.constant 0 : i32
        %dma_wait3A_201 = tpu.memref_slice %arg9[%dma_wait3A_199, %dma_wait3A_200] : memref<28032x64xf32, #tpu.memory_space<vmem_shared>> -> memref<28032x64xf32, #tpu.memory_space<vmem_shared>>
        tpu.wait_indirect_dma semaphore(%arg16 : memref<!tpu.dma_semaphore, #tpu.memory_space<semaphore_mem>>) src(%arg12 : memref<128x64xf32, #tpu.memory_space<vmem>>) dst(%dma_wait3A_201 : memref<28032x64xf32, #tpu.memory_space<vmem_shared>>)
        %dma_start3A_202 = arith.constant 6 : i32
        %dma_start3A_203 = arith.constant 0 : i32
        %dma_start3A_204 = tpu.memref_slice %arg10[%dma_start3A_202, %dma_start3A_203] : memref<8x128xi32, #tpu.memory_space<vmem>> -> memref<1x128xi32, #tpu.memory_space<vmem>>
        %dma_start3A_205 = tpu.memref_squeeze %dma_start3A_204 : memref<1x128xi32, #tpu.memory_space<vmem>> -> memref<128xi32, #tpu.memory_space<vmem>>
        %dma_start3A_206 = arith.constant 0 : i32
        %dma_start3A_207 = arith.constant 0 : i32
        %dma_start3A_208 = tpu.memref_slice %arg6[%dma_start3A_206, %dma_start3A_207] : memref<57344x64xf32, #tpu.memory_space<hbm>> -> memref<57344x64xf32, #tpu.memory_space<hbm>>
        tpu.enqueue_indirect_dma source(%dma_start3A_208 : memref<57344x64xf32, #tpu.memory_space<hbm>>) target(%arg12 : memref<128x64xf32, #tpu.memory_space<vmem>>) offsets(%dma_start3A_205 : memref<128xi32, #tpu.memory_space<vmem>>) semaphore(%arg14 : memref<!tpu.dma_semaphore, #tpu.memory_space<semaphore_mem>>)
        %dma_wait3A_209 = arith.constant 5 : i32
        %dma_wait3A_210 = arith.constant 0 : i32
        %dma_wait3A_211 = tpu.memref_slice %arg10[%dma_wait3A_209, %dma_wait3A_210] : memref<8x128xi32, #tpu.memory_space<vmem>> -> memref<1x128xi32, #tpu.memory_space<vmem>>
        %dma_wait3A_212 = tpu.memref_squeeze %dma_wait3A_211 : memref<1x128xi32, #tpu.memory_space<vmem>> -> memref<128xi32, #tpu.memory_space<vmem>>
        %dma_wait3A_213 = arith.constant 0 : i32
        %dma_wait3A_214 = arith.constant 0 : i32
        %dma_wait3A_215 = tpu.memref_slice %arg6[%dma_wait3A_213, %dma_wait3A_214] : memref<57344x64xf32, #tpu.memory_space<hbm>> -> memref<57344x64xf32, #tpu.memory_space<hbm>>
        tpu.wait_indirect_dma semaphore(%arg15 : memref<!tpu.dma_semaphore, #tpu.memory_space<semaphore_mem>>) src(%dma_wait3A_215 : memref<57344x64xf32, #tpu.memory_space<hbm>>) dst(%arg13 : memref<128x64xf32, #tpu.memory_space<vmem>>)
        %dma_start3A_216 = arith.constant 5 : i32
        %dma_start3A_217 = arith.constant 0 : i32
        %dma_start3A_218 = tpu.memref_slice %arg11[%dma_start3A_216, %dma_start3A_217] : memref<8x128xi32, #tpu.memory_space<vmem>> -> memref<1x128xi32, #tpu.memory_space<vmem>>
        %dma_start3A_219 = tpu.memref_squeeze %dma_start3A_218 : memref<1x128xi32, #tpu.memory_space<vmem>> -> memref<128xi32, #tpu.memory_space<vmem>>
        %dma_start3A_220 = arith.constant 0 : i32
        %dma_start3A_221 = arith.constant 0 : i32
        %dma_start3A_222 = tpu.memref_slice %arg9[%dma_start3A_220, %dma_start3A_221] : memref<28032x64xf32, #tpu.memory_space<vmem_shared>> -> memref<28032x64xf32, #tpu.memory_space<vmem_shared>>
        tpu.enqueue_indirect_dma source(%arg13 : memref<128x64xf32, #tpu.memory_space<vmem>>) target(%dma_start3A_222 : memref<28032x64xf32, #tpu.memory_space<vmem_shared>>) offsets(%dma_start3A_219 : memref<128xi32, #tpu.memory_space<vmem>>) semaphore(%arg17 : memref<!tpu.dma_semaphore, #tpu.memory_space<semaphore_mem>>) {add = true}
        %dma_wait3A_223 = arith.constant 5 : i32
        %dma_wait3A_224 = arith.constant 0 : i32
        %dma_wait3A_225 = tpu.memref_slice %arg11[%dma_wait3A_223, %dma_wait3A_224] : memref<8x128xi32, #tpu.memory_space<vmem>> -> memref<1x128xi32, #tpu.memory_space<vmem>>
        %dma_wait3A_226 = tpu.memref_squeeze %dma_wait3A_225 : memref<1x128xi32, #tpu.memory_space<vmem>> -> memref<128xi32, #tpu.memory_space<vmem>>
        %dma_wait3A_227 = arith.constant 0 : i32
        %dma_wait3A_228 = arith.constant 0 : i32
        %dma_wait3A_229 = tpu.memref_slice %arg9[%dma_wait3A_227, %dma_wait3A_228] : memref<28032x64xf32, #tpu.memory_space<vmem_shared>> -> memref<28032x64xf32, #tpu.memory_space<vmem_shared>>
        tpu.wait_indirect_dma semaphore(%arg17 : memref<!tpu.dma_semaphore, #tpu.memory_space<semaphore_mem>>) src(%arg13 : memref<128x64xf32, #tpu.memory_space<vmem>>) dst(%dma_wait3A_229 : memref<28032x64xf32, #tpu.memory_space<vmem_shared>>)
        %dma_start3A_230 = arith.constant 7 : i32
        %dma_start3A_231 = arith.constant 0 : i32
        %dma_start3A_232 = tpu.memref_slice %arg10[%dma_start3A_230, %dma_start3A_231] : memref<8x128xi32, #tpu.memory_space<vmem>> -> memref<1x128xi32, #tpu.memory_space<vmem>>
        %dma_start3A_233 = tpu.memref_squeeze %dma_start3A_232 : memref<1x128xi32, #tpu.memory_space<vmem>> -> memref<128xi32, #tpu.memory_space<vmem>>
        %dma_start3A_234 = arith.constant 0 : i32
        %dma_start3A_235 = arith.constant 0 : i32
        %dma_start3A_236 = tpu.memref_slice %arg6[%dma_start3A_234, %dma_start3A_235] : memref<57344x64xf32, #tpu.memory_space<hbm>> -> memref<57344x64xf32, #tpu.memory_space<hbm>>
        tpu.enqueue_indirect_dma source(%dma_start3A_236 : memref<57344x64xf32, #tpu.memory_space<hbm>>) target(%arg13 : memref<128x64xf32, #tpu.memory_space<vmem>>) offsets(%dma_start3A_233 : memref<128xi32, #tpu.memory_space<vmem>>) semaphore(%arg15 : memref<!tpu.dma_semaphore, #tpu.memory_space<semaphore_mem>>)
        %dma_wait3A_237 = arith.constant 6 : i32
        %dma_wait3A_238 = arith.constant 0 : i32
        %dma_wait3A_239 = tpu.memref_slice %arg10[%dma_wait3A_237, %dma_wait3A_238] : memref<8x128xi32, #tpu.memory_space<vmem>> -> memref<1x128xi32, #tpu.memory_space<vmem>>
        %dma_wait3A_240 = tpu.memref_squeeze %dma_wait3A_239 : memref<1x128xi32, #tpu.memory_space<vmem>> -> memref<128xi32, #tpu.memory_space<vmem>>
        %dma_wait3A_241 = arith.constant 0 : i32
        %dma_wait3A_242 = arith.constant 0 : i32
        %dma_wait3A_243 = tpu.memref_slice %arg6[%dma_wait3A_241, %dma_wait3A_242] : memref<57344x64xf32, #tpu.memory_space<hbm>> -> memref<57344x64xf32, #tpu.memory_space<hbm>>
        tpu.wait_indirect_dma semaphore(%arg14 : memref<!tpu.dma_semaphore, #tpu.memory_space<semaphore_mem>>) src(%dma_wait3A_243 : memref<57344x64xf32, #tpu.memory_space<hbm>>) dst(%arg12 : memref<128x64xf32, #tpu.memory_space<vmem>>)
        %dma_start3A_244 = arith.constant 6 : i32
        %dma_start3A_245 = arith.constant 0 : i32
        %dma_start3A_246 = tpu.memref_slice %arg11[%dma_start3A_244, %dma_start3A_245] : memref<8x128xi32, #tpu.memory_space<vmem>> -> memref<1x128xi32, #tpu.memory_space<vmem>>
        %dma_start3A_247 = tpu.memref_squeeze %dma_start3A_246 : memref<1x128xi32, #tpu.memory_space<vmem>> -> memref<128xi32, #tpu.memory_space<vmem>>
        %dma_start3A_248 = arith.constant 0 : i32
        %dma_start3A_249 = arith.constant 0 : i32
        %dma_start3A_250 = tpu.memref_slice %arg9[%dma_start3A_248, %dma_start3A_249] : memref<28032x64xf32, #tpu.memory_space<vmem_shared>> -> memref<28032x64xf32, #tpu.memory_space<vmem_shared>>
        tpu.enqueue_indirect_dma source(%arg12 : memref<128x64xf32, #tpu.memory_space<vmem>>) target(%dma_start3A_250 : memref<28032x64xf32, #tpu.memory_space<vmem_shared>>) offsets(%dma_start3A_247 : memref<128xi32, #tpu.memory_space<vmem>>) semaphore(%arg16 : memref<!tpu.dma_semaphore, #tpu.memory_space<semaphore_mem>>) {add = true}
        %dma_wait3A_251 = arith.constant 7 : i32
        %dma_wait3A_252 = arith.constant 0 : i32
        %dma_wait3A_253 = tpu.memref_slice %arg10[%dma_wait3A_251, %dma_wait3A_252] : memref<8x128xi32, #tpu.memory_space<vmem>> -> memref<1x128xi32, #tpu.memory_space<vmem>>
        %dma_wait3A_254 = tpu.memref_squeeze %dma_wait3A_253 : memref<1x128xi32, #tpu.memory_space<vmem>> -> memref<128xi32, #tpu.memory_space<vmem>>
        %dma_wait3A_255 = arith.constant 0 : i32
        %dma_wait3A_256 = arith.constant 0 : i32
        %dma_wait3A_257 = tpu.memref_slice %arg6[%dma_wait3A_255, %dma_wait3A_256] : memref<57344x64xf32, #tpu.memory_space<hbm>> -> memref<57344x64xf32, #tpu.memory_space<hbm>>
        tpu.wait_indirect_dma semaphore(%arg15 : memref<!tpu.dma_semaphore, #tpu.memory_space<semaphore_mem>>) src(%dma_wait3A_257 : memref<57344x64xf32, #tpu.memory_space<hbm>>) dst(%arg13 : memref<128x64xf32, #tpu.memory_space<vmem>>)
        %dma_start3A_258 = arith.constant 7 : i32
        %dma_start3A_259 = arith.constant 0 : i32
        %dma_start3A_260 = tpu.memref_slice %arg11[%dma_start3A_258, %dma_start3A_259] : memref<8x128xi32, #tpu.memory_space<vmem>> -> memref<1x128xi32, #tpu.memory_space<vmem>>
        %dma_start3A_261 = tpu.memref_squeeze %dma_start3A_260 : memref<1x128xi32, #tpu.memory_space<vmem>> -> memref<128xi32, #tpu.memory_space<vmem>>
        %dma_start3A_262 = arith.constant 0 : i32
        %dma_start3A_263 = arith.constant 0 : i32
        %dma_start3A_264 = tpu.memref_slice %arg9[%dma_start3A_262, %dma_start3A_263] : memref<28032x64xf32, #tpu.memory_space<vmem_shared>> -> memref<28032x64xf32, #tpu.memory_space<vmem_shared>>
        tpu.enqueue_indirect_dma source(%arg13 : memref<128x64xf32, #tpu.memory_space<vmem>>) target(%dma_start3A_264 : memref<28032x64xf32, #tpu.memory_space<vmem_shared>>) offsets(%dma_start3A_261 : memref<128xi32, #tpu.memory_space<vmem>>) semaphore(%arg17 : memref<!tpu.dma_semaphore, #tpu.memory_space<semaphore_mem>>) {add = true}
        %dma_wait3A_265 = arith.constant 6 : i32
        %dma_wait3A_266 = arith.constant 0 : i32
        %dma_wait3A_267 = tpu.memref_slice %arg11[%dma_wait3A_265, %dma_wait3A_266] : memref<8x128xi32, #tpu.memory_space<vmem>> -> memref<1x128xi32, #tpu.memory_space<vmem>>
        %dma_wait3A_268 = tpu.memref_squeeze %dma_wait3A_267 : memref<1x128xi32, #tpu.memory_space<vmem>> -> memref<128xi32, #tpu.memory_space<vmem>>
        %dma_wait3A_269 = arith.constant 0 : i32
        %dma_wait3A_270 = arith.constant 0 : i32
        %dma_wait3A_271 = tpu.memref_slice %arg9[%dma_wait3A_269, %dma_wait3A_270] : memref<28032x64xf32, #tpu.memory_space<vmem_shared>> -> memref<28032x64xf32, #tpu.memory_space<vmem_shared>>
        tpu.wait_indirect_dma semaphore(%arg16 : memref<!tpu.dma_semaphore, #tpu.memory_space<semaphore_mem>>) src(%arg12 : memref<128x64xf32, #tpu.memory_space<vmem>>) dst(%dma_wait3A_271 : memref<28032x64xf32, #tpu.memory_space<vmem_shared>>)
        %dma_wait3A_272 = arith.constant 7 : i32
        %dma_wait3A_273 = arith.constant 0 : i32
        %dma_wait3A_274 = tpu.memref_slice %arg11[%dma_wait3A_272, %dma_wait3A_273] : memref<8x128xi32, #tpu.memory_space<vmem>> -> memref<1x128xi32, #tpu.memory_space<vmem>>
        %dma_wait3A_275 = tpu.memref_squeeze %dma_wait3A_274 : memref<1x128xi32, #tpu.memory_space<vmem>> -> memref<128xi32, #tpu.memory_space<vmem>>
        %dma_wait3A_276 = arith.constant 0 : i32
        %dma_wait3A_277 = arith.constant 0 : i32
        %dma_wait3A_278 = tpu.memref_slice %arg9[%dma_wait3A_276, %dma_wait3A_277] : memref<28032x64xf32, #tpu.memory_space<vmem_shared>> -> memref<28032x64xf32, #tpu.memory_space<vmem_shared>>
        tpu.wait_indirect_dma semaphore(%arg17 : memref<!tpu.dma_semaphore, #tpu.memory_space<semaphore_mem>>) src(%arg13 : memref<128x64xf32, #tpu.memory_space<vmem>>) dst(%dma_wait3A_278 : memref<28032x64xf32, #tpu.memory_space<vmem_shared>>)
      }
      %scan3A_50 = arith.constant 16 : i32
    } else {
    }
    %barrier3A_35 = arith.constant 0 : index
    tpu.barrier barrier_id(%barrier3A_35)
    %eq3A_36 = arith.constant 0 : i32
    %eq3A_37 = arith.cmpi eq, %arg0, %eq3A_36 : i32
    %convert_element_type3A_38 = arith.extui %eq3A_37 : i1 to i32
    %cond3A_39 = arith.constant 0 : i32
    %cond3A_40 = arith.cmpi ne, %convert_element_type3A_38, %cond3A_39 : i32
    scf.if %cond3A_40 {
      "tpu.region"() ({
        %run_scoped3A = tpu.sem_alloc : memref<!tpu.dma_semaphore, #tpu.memory_space<semaphore_mem>>
        %dma_start3A = arith.constant 0 : i32
        %dma_start3A_46 = tpu.memref_slice %arg7[%mul3A_0, %dma_start3A] : memref<28032x64xf32, #tpu.memory_space<hbm>> -> memref<1752x64xf32, #tpu.memory_space<hbm>>
        %dma_start3A_47 = arith.constant 0 : i32
        %dma_start3A_48 = tpu.memref_slice %arg9[%mul3A_0, %dma_start3A_47] : memref<28032x64xf32, #tpu.memory_space<vmem_shared>> -> memref<1752x64xf32, #tpu.memory_space<vmem_shared>>
        tpu.enqueue_dma source(%dma_start3A_48 : memref<1752x64xf32, #tpu.memory_space<vmem_shared>>) target(%dma_start3A_46 : memref<1752x64xf32, #tpu.memory_space<hbm>>) target_semaphore(%run_scoped3A : memref<!tpu.dma_semaphore, #tpu.memory_space<semaphore_mem>>)
        %dma_wait3A = arith.constant 0 : i32
        %dma_wait3A_49 = tpu.memref_slice %arg7[%mul3A_0, %dma_wait3A] : memref<28032x64xf32, #tpu.memory_space<hbm>> -> memref<1752x64xf32, #tpu.memory_space<hbm>>
        %dma_wait3A_50 = arith.constant 0 : i32
        %dma_wait3A_51 = tpu.memref_slice %arg9[%mul3A_0, %dma_wait3A_50] : memref<28032x64xf32, #tpu.memory_space<vmem_shared>> -> memref<1752x64xf32, #tpu.memory_space<vmem_shared>>
        tpu.wait_dma2 semaphore(%run_scoped3A : memref<!tpu.dma_semaphore, #tpu.memory_space<semaphore_mem>>) src(%dma_wait3A_51 : memref<1752x64xf32, #tpu.memory_space<vmem_shared>>) dst(%dma_wait3A_49 : memref<1752x64xf32, #tpu.memory_space<hbm>>)
        tpu.yield
      }) : () -> ()
    } else {
    }
    %eq3A_41 = arith.constant 1 : i32
    %eq3A_42 = arith.cmpi eq, %arg0, %eq3A_41 : i32
    %convert_element_type3A_43 = arith.extui %eq3A_42 : i1 to i32
    %cond3A_44 = arith.constant 0 : i32
    %cond3A_45 = arith.cmpi ne, %convert_element_type3A_43, %cond3A_44 : i32
    scf.if %cond3A_45 {
      "tpu.region"() ({
        %run_scoped3A = tpu.sem_alloc : memref<!tpu.dma_semaphore, #tpu.memory_space<semaphore_mem>>
        %dma_start3A = arith.constant 0 : i32
        %dma_start3A_46 = tpu.memref_slice %arg8[%mul3A_0, %dma_start3A] : memref<28032x64xf32, #tpu.memory_space<hbm>> -> memref<1752x64xf32, #tpu.memory_space<hbm>>
        %dma_start3A_47 = arith.constant 0 : i32
        %dma_start3A_48 = tpu.memref_slice %arg9[%mul3A_0, %dma_start3A_47] : memref<28032x64xf32, #tpu.memory_space<vmem_shared>> -> memref<1752x64xf32, #tpu.memory_space<vmem_shared>>
        tpu.enqueue_dma source(%dma_start3A_48 : memref<1752x64xf32, #tpu.memory_space<vmem_shared>>) target(%dma_start3A_46 : memref<1752x64xf32, #tpu.memory_space<hbm>>) target_semaphore(%run_scoped3A : memref<!tpu.dma_semaphore, #tpu.memory_space<semaphore_mem>>)
        %dma_wait3A = arith.constant 0 : i32
        %dma_wait3A_49 = tpu.memref_slice %arg8[%mul3A_0, %dma_wait3A] : memref<28032x64xf32, #tpu.memory_space<hbm>> -> memref<1752x64xf32, #tpu.memory_space<hbm>>
        %dma_wait3A_50 = arith.constant 0 : i32
        %dma_wait3A_51 = tpu.memref_slice %arg9[%mul3A_0, %dma_wait3A_50] : memref<28032x64xf32, #tpu.memory_space<vmem_shared>> -> memref<1752x64xf32, #tpu.memory_space<vmem_shared>>
        tpu.wait_dma2 semaphore(%run_scoped3A : memref<!tpu.dma_semaphore, #tpu.memory_space<semaphore_mem>>) src(%dma_wait3A_51 : memref<1752x64xf32, #tpu.memory_space<vmem_shared>>) dst(%dma_wait3A_49 : memref<1752x64xf32, #tpu.memory_space<hbm>>)
        tpu.yield
      }) : () -> ()
    } else {
    }
    return
  }
}

module attributes {stable_mosaic.version = 14 : i64} {
  func.func @_feat_body(%arg0: i32, %arg1: memref<1024x3xf32, #tpu.memory_space<vmem>>, %arg2: memref<1024x1xf32, #tpu.memory_space<vmem>>, %arg3: memref<1024x64xf32, #tpu.memory_space<vmem>>, %arg4: memref<1024x64xf32, #tpu.memory_space<vmem>>, %arg5: memref<64x128xf32, #tpu.memory_space<vmem>>, %arg6: memref<64x128xf32, #tpu.memory_space<vmem>>, %arg7: memref<64x128xf32, #tpu.memory_space<vmem>>, %arg8: memref<8x64xf32, #tpu.memory_space<vmem>>, %arg9: memref<8x64xf32, #tpu.memory_space<vmem>>, %arg10: memref<64x64xf32, #tpu.memory_space<vmem>>, %arg11: memref<1024x128xf32, #tpu.memory_space<vmem>>, %arg12: memref<1024x128xf32, #tpu.memory_space<vmem>>, %arg13: memref<1024x128xf32, #tpu.memory_space<vmem>>) attributes {dimension_semantics = [#tpu.dimension_semantics<arbitrary>], iteration_bounds = array<i64: 28>, scalar_prefetch = 0 : i64, scratch_operands = 0 : i64, tpu.core_type = #tpu.core_type<tc>, window_params = [{transform_indices = @transform_0, window_bounds = array<i64: 1024, 3>}, {transform_indices = @transform_1, window_bounds = array<i64: 1024, 1>}, {transform_indices = @transform_2, window_bounds = array<i64: 1024, 64>}, {transform_indices = @transform_3, window_bounds = array<i64: 1024, 64>}, {pipeline_mode = #tpu.pipeline_mode<synchronous>, transform_indices = @transform_4, window_bounds = array<i64: 64, 128>}, {pipeline_mode = #tpu.pipeline_mode<synchronous>, transform_indices = @transform_5, window_bounds = array<i64: 64, 128>}, {pipeline_mode = #tpu.pipeline_mode<synchronous>, transform_indices = @transform_6, window_bounds = array<i64: 64, 128>}, {pipeline_mode = #tpu.pipeline_mode<synchronous>, transform_indices = @transform_7, window_bounds = array<i64: 8, 64>}, {pipeline_mode = #tpu.pipeline_mode<synchronous>, transform_indices = @transform_8, window_bounds = array<i64: 8, 64>}, {pipeline_mode = #tpu.pipeline_mode<synchronous>, transform_indices = @transform_9, window_bounds = array<i64: 64, 64>}, {transform_indices = @transform_10, window_bounds = array<i64: 1024, 128>}, {transform_indices = @transform_11, window_bounds = array<i64: 1024, 128>}, {transform_indices = @transform_12, window_bounds = array<i64: 1024, 128>}]} {
    %lt3A = arith.constant 25 : i32
    %lt3A_0 = arith.cmpi slt, %arg0, %lt3A : i32
    %convert_element_type3A = arith.extui %lt3A_0 : i1 to i32
    %cond3A = arith.constant 0 : i32
    %cond3A_1 = arith.cmpi ne, %convert_element_type3A, %cond3A : i32
    scf.if %cond3A_1 {
      %get3A = arith.constant 0 : index
      %get3A_6 = arith.constant 0 : index
      %get3A_7 = vector.load %arg1[%get3A, %get3A_6] : memref<1024x3xf32, #tpu.memory_space<vmem>>, vector<1024x3xf32>
      %iota3A = tpu.iota {dimensions = array<i32: 1>} : vector<1024x64xi32>
      %sub3A = arith.constant 3 : i32
      %sub3A_8 = vector.broadcast %sub3A : i32 to vector<1024x64xi32>
      %sub3A_9 = arith.subi %iota3A, %sub3A_8 : vector<1024x64xi32>
      %ge3A_10 = arith.constant 3 : i32
      %ge3A_11 = vector.broadcast %ge3A_10 : i32 to vector<1024x64xi32>
      %ge3A_12 = arith.cmpi sge, %iota3A, %ge3A_11 : vector<1024x64xi32>
      %lt3A_13 = arith.constant 63 : i32
      %lt3A_14 = vector.broadcast %lt3A_13 : i32 to vector<1024x64xi32>
      %lt3A_15 = arith.cmpi slt, %iota3A, %lt3A_14 : vector<1024x64xi32>
      %and3A = arith.andi %ge3A_12, %lt3A_15 : vector<1024x64xi1>
      %rem3A = arith.constant 20 : i32
      %rem3A_16 = vector.broadcast %rem3A : i32 to vector<1024x64xi32>
      %rem3A_17 = arith.remsi %sub3A_9, %rem3A_16 : vector<1024x64xi32>
      %ge3A_18 = arith.constant 10 : i32
      %ge3A_19 = vector.broadcast %ge3A_18 : i32 to vector<1024x64xi32>
      %ge3A_20 = arith.cmpi sge, %rem3A_17, %ge3A_19 : vector<1024x64xi32>
      %and3A_21 = arith.andi %and3A, %ge3A_20 : vector<1024x64xi1>
      %lt3A_22 = arith.constant 3 : i32
      %lt3A_23 = vector.broadcast %lt3A_22 : i32 to vector<1024x64xi32>
      %lt3A_24 = arith.cmpi slt, %iota3A, %lt3A_23 : vector<1024x64xi32>
      %jit3A = arith.constant 20 : i32
      %div3A = vector.broadcast %jit3A : i32 to vector<1024x64xi32>
      %div3A_25 = arith.divsi %sub3A_9, %div3A : vector<1024x64xi32>
      %sign3A = arith.constant 0 : i32
      %sign3A_26 = vector.broadcast %sign3A : i32 to vector<1024x64xi32>
      %sign3A_27 = arith.cmpi sgt, %sub3A_9, %sign3A_26 : vector<1024x64xi32>
      %sign3A_28 = arith.extui %sign3A_27 : vector<1024x64xi1> to vector<1024x64xi32>
      %sign3A_29 = arith.constant 0 : i32
      %sign3A_30 = vector.broadcast %sign3A_29 : i32 to vector<1024x64xi32>
      %sign3A_31 = arith.cmpi slt, %sub3A_9, %sign3A_30 : vector<1024x64xi32>
      %sign3A_32 = arith.extui %sign3A_31 : vector<1024x64xi1> to vector<1024x64xi32>
      %sign3A_33 = arith.subi %sign3A_28, %sign3A_32 : vector<1024x64xi32>
      %sign3A_34 = arith.constant 0 : i32
      %sign3A_35 = arith.cmpi sgt, %jit3A, %sign3A_34 : i32
      %sign3A_36 = arith.extui %sign3A_35 : i1 to i32
      %sign3A_37 = arith.constant 0 : i32
      %sign3A_38 = arith.cmpi slt, %jit3A, %sign3A_37 : i32
      %sign3A_39 = arith.extui %sign3A_38 : i1 to i32
      %sign3A_40 = arith.subi %sign3A_36, %sign3A_39 : i32
      %ne3A = vector.broadcast %sign3A_40 : i32 to vector<1024x64xi32>
      %ne3A_41 = arith.cmpi ne, %sign3A_33, %ne3A : vector<1024x64xi32>
      %rem3A_42 = vector.broadcast %jit3A : i32 to vector<1024x64xi32>
      %rem3A_43 = arith.remsi %sub3A_9, %rem3A_42 : vector<1024x64xi32>
      %ne3A_44 = arith.constant 0 : i32
      %ne3A_45 = vector.broadcast %ne3A_44 : i32 to vector<1024x64xi32>
      %ne3A_46 = arith.cmpi ne, %rem3A_43, %ne3A_45 : vector<1024x64xi32>
      %and3A_47 = arith.andi %ne3A_41, %ne3A_46 : vector<1024x64xi1>
      %sub3A_48 = arith.constant 1 : i32
      %sub3A_49 = vector.broadcast %sub3A_48 : i32 to vector<1024x64xi32>
      %sub3A_50 = arith.subi %div3A_25, %sub3A_49 : vector<1024x64xi32>
      %select_n3A = arith.select %and3A_47, %sub3A_50, %div3A_25 : vector<1024x64xi1>, vector<1024x64xi32>
      %select_n3A_51 = arith.select %lt3A_24, %iota3A, %select_n3A : vector<1024x64xi1>, vector<1024x64xi32>
      %jit3A_52 = arith.constant 0 : i32
      %jit3A_53 = arith.constant 2 : i32
      %max3A = vector.broadcast %jit3A_52 : i32 to vector<1024x64xi32>
      %max3A_54 = arith.maxsi %max3A, %select_n3A_51 : vector<1024x64xi32>
      %min3A = vector.broadcast %jit3A_53 : i32 to vector<1024x64xi32>
      %min3A_55 = arith.minsi %min3A, %max3A_54 : vector<1024x64xi32>
      %add3A = arith.constant 20 : i32
      %add3A_56 = vector.broadcast %add3A : i32 to vector<1024x64xi32>
      %add3A_57 = arith.addi %sub3A_9, %add3A_56 : vector<1024x64xi32>
      %rem3A_58 = arith.constant 20 : i32
      %rem3A_59 = vector.broadcast %rem3A_58 : i32 to vector<1024x64xi32>
      %rem3A_60 = arith.remsi %add3A_57, %rem3A_59 : vector<1024x64xi32>
      %rem3A_61 = arith.constant 10 : i32
      %rem3A_62 = vector.broadcast %rem3A_61 : i32 to vector<1024x64xi32>
      %rem3A_63 = arith.remsi %rem3A_60, %rem3A_62 : vector<1024x64xi32>
      %convert_element_type3A_64 = arith.sitofp %rem3A_63 : vector<1024x64xi32> to vector<1024x64xf32>
      %exp23A = math.exp2 %convert_element_type3A_64 : vector<1024x64xf32>
      %eq3A = arith.constant 0 : i32
      %eq3A_65 = vector.broadcast %eq3A : i32 to vector<1024x64xi32>
      %eq3A_66 = arith.cmpi eq, %min3A_55, %eq3A_65 : vector<1024x64xi32>
      %slice3A = vector.extract_strided_slice %get3A_7 {offsets = [0, 0], sizes = [1024, 1], strides = [1, 1]} : vector<1024x3xf32> to vector<1024x1xf32>
      %eq3A_67 = arith.constant 1 : i32
      %eq3A_68 = vector.broadcast %eq3A_67 : i32 to vector<1024x64xi32>
      %eq3A_69 = arith.cmpi eq, %min3A_55, %eq3A_68 : vector<1024x64xi32>
      %slice3A_70 = vector.extract_strided_slice %get3A_7 {offsets = [0, 1], sizes = [1024, 1], strides = [1, 1]} : vector<1024x3xf32> to vector<1024x1xf32>
      %slice3A_71 = vector.extract_strided_slice %get3A_7 {offsets = [0, 2], sizes = [1024, 1], strides = [1, 1]} : vector<1024x3xf32> to vector<1024x1xf32>
      %broadcast_in_dim3A = vector.shape_cast %slice3A_70 : vector<1024x1xf32> to vector<1024x1xf32>
      %broadcast_in_dim3A_72 = vector.broadcast %broadcast_in_dim3A : vector<1024x1xf32> to vector<1024x64xf32>
      %broadcast_in_dim3A_73 = vector.shape_cast %slice3A_71 : vector<1024x1xf32> to vector<1024x1xf32>
      %broadcast_in_dim3A_74 = vector.broadcast %broadcast_in_dim3A_73 : vector<1024x1xf32> to vector<1024x64xf32>
      %select_n3A_75 = arith.select %eq3A_69, %broadcast_in_dim3A_72, %broadcast_in_dim3A_74 : vector<1024x64xi1>, vector<1024x64xf32>
      %broadcast_in_dim3A_76 = vector.shape_cast %slice3A : vector<1024x1xf32> to vector<1024x1xf32>
      %broadcast_in_dim3A_77 = vector.broadcast %broadcast_in_dim3A_76 : vector<1024x1xf32> to vector<1024x64xf32>
      %select_n3A_78 = arith.select %eq3A_66, %broadcast_in_dim3A_77, %select_n3A_75 : vector<1024x64xi1>, vector<1024x64xf32>
      %jit3A_79 = arith.constant 1.000000e+00 : f32
      %broadcast_in_dim3A_80 = vector.broadcast %jit3A_79 : f32 to vector<1024x64xf32>
      %select_n3A_81 = arith.select %and3A, %exp23A, %broadcast_in_dim3A_80 : vector<1024x64xi1>, vector<1024x64xf32>
      %mul3A = arith.mulf %select_n3A_78, %select_n3A_81 : vector<1024x64xf32>
      %jit3A_82 = arith.constant 1.57079637 : f32
      %jit3A_83 = arith.constant 0.000000e+00 : f32
      %broadcast_in_dim3A_84 = vector.broadcast %jit3A_82 : f32 to vector<1024x64xf32>
      %broadcast_in_dim3A_85 = vector.broadcast %jit3A_83 : f32 to vector<1024x64xf32>
      %select_n3A_86 = arith.select %and3A_21, %broadcast_in_dim3A_84, %broadcast_in_dim3A_85 : vector<1024x64xi1>, vector<1024x64xf32>
      %add3A_87 = arith.addf %mul3A, %select_n3A_86 : vector<1024x64xf32>
      %sin3A = math.sin %add3A_87 : vector<1024x64xf32>
      %select_n3A_88 = arith.select %and3A, %sin3A, %mul3A : vector<1024x64xi1>, vector<1024x64xf32>
      %ge3A_89 = arith.constant 63 : i32
      %ge3A_90 = vector.broadcast %ge3A_89 : i32 to vector<1024x64xi32>
      %ge3A_91 = arith.cmpi sge, %iota3A, %ge3A_90 : vector<1024x64xi32>
      %jit3A_92 = arith.constant 0.000000e+00 : f32
      %broadcast_in_dim3A_93 = vector.broadcast %jit3A_92 : f32 to vector<1024x64xf32>
      %select_n3A_94 = arith.select %ge3A_91, %broadcast_in_dim3A_93, %select_n3A_88 : vector<1024x64xi1>, vector<1024x64xf32>
      %get3A_95 = arith.constant 0 : index
      %get3A_96 = arith.constant 0 : index
      %get3A_97 = vector.load %arg5[%get3A_95, %get3A_96] : memref<64x128xf32, #tpu.memory_space<vmem>>, vector<64x128xf32>
      %dot_general3A = arith.constant dense<0.000000e+00> : vector<1024x128xf32>
      %dot_general3A_98 = tpu.matmul %select_n3A_94, %get3A_97, %dot_general3A {dimension_numbers = #tpu.dot_dimension_numbers<[1], [0], [0], [1], [0, 0, 1, 1], [], []>, transpose_lhs_hint = false} : vector<1024x64xf32>, vector<64x128xf32>, vector<1024x128xf32> -> vector<1024x128xf32>
      %get3A_99 = arith.constant 0 : index
      %get3A_100 = arith.constant 0 : index
      %get3A_101 = vector.load %arg6[%get3A_99, %get3A_100] : memref<64x128xf32, #tpu.memory_space<vmem>>, vector<64x128xf32>
      %dot_general3A_102 = arith.constant dense<0.000000e+00> : vector<1024x128xf32>
      %dot_general3A_103 = tpu.matmul %select_n3A_94, %get3A_101, %dot_general3A_102 {dimension_numbers = #tpu.dot_dimension_numbers<[1], [0], [0], [1], [0, 0, 1, 1], [], []>, transpose_lhs_hint = false} : vector<1024x64xf32>, vector<64x128xf32>, vector<1024x128xf32> -> vector<1024x128xf32>
      %swap3A = arith.constant 0 : index
      %swap3A_104 = arith.constant 0 : index
      %swap3A_105 = vector.load %arg11[%swap3A, %swap3A_104] : memref<1024x128xf32, #tpu.memory_space<vmem>>, vector<1024x128xf32>
      tpu.vector_store %arg11[%swap3A, %swap3A_104], %dot_general3A_98 {strides = array<i32>} : memref<1024x128xf32, #tpu.memory_space<vmem>>, vector<1024x128xf32>,
      %add3A_106 = arith.addf %dot_general3A_98, %dot_general3A_103 : vector<1024x128xf32>
      %swap3A_107 = arith.constant 0 : index
      %swap3A_108 = arith.constant 0 : index
      %swap3A_109 = vector.load %arg12[%swap3A_107, %swap3A_108] : memref<1024x128xf32, #tpu.memory_space<vmem>>, vector<1024x128xf32>
      tpu.vector_store %arg12[%swap3A_107, %swap3A_108], %add3A_106 {strides = array<i32>} : memref<1024x128xf32, #tpu.memory_space<vmem>>, vector<1024x128xf32>,
      %get3A_110 = arith.constant 0 : index
      %get3A_111 = arith.constant 0 : index
      %get3A_112 = vector.load %arg7[%get3A_110, %get3A_111] : memref<64x128xf32, #tpu.memory_space<vmem>>, vector<64x128xf32>
      %dot_general3A_113 = arith.constant dense<0.000000e+00> : vector<1024x128xf32>
      %dot_general3A_114 = tpu.matmul %select_n3A_94, %get3A_112, %dot_general3A_113 {dimension_numbers = #tpu.dot_dimension_numbers<[1], [0], [0], [1], [0, 0, 1, 1], [], []>, transpose_lhs_hint = false} : vector<1024x64xf32>, vector<64x128xf32>, vector<1024x128xf32> -> vector<1024x128xf32>
      %swap3A_115 = arith.constant 0 : index
      %swap3A_116 = arith.constant 0 : index
      %swap3A_117 = vector.load %arg13[%swap3A_115, %swap3A_116] : memref<1024x128xf32, #tpu.memory_space<vmem>>, vector<1024x128xf32>
      tpu.vector_store %arg13[%swap3A_115, %swap3A_116], %dot_general3A_114 {strides = array<i32>} : memref<1024x128xf32, #tpu.memory_space<vmem>>, vector<1024x128xf32>,
    } else {
    }
    %ge3A = arith.constant 25 : i32
    %ge3A_2 = arith.cmpi sge, %arg0, %ge3A : i32
    %convert_element_type3A_3 = arith.extui %ge3A_2 : i1 to i32
    %cond3A_4 = arith.constant 0 : i32
    %cond3A_5 = arith.cmpi ne, %convert_element_type3A_3, %cond3A_4 : i32
    scf.if %cond3A_5 {
      %get3A = arith.constant 0 : index
      %get3A_6 = arith.constant 0 : index
      %get3A_7 = vector.load %arg3[%get3A, %get3A_6] : memref<1024x64xf32, #tpu.memory_space<vmem>>, vector<1024x64xf32>
      %get3A_8 = arith.constant 0 : index
      %get3A_9 = arith.constant 0 : index
      %get3A_10 = vector.load %arg4[%get3A_8, %get3A_9] : memref<1024x64xf32, #tpu.memory_space<vmem>>, vector<1024x64xf32>
      %get3A_11 = arith.constant 0 : index
      %get3A_12 = arith.constant 0 : index
      %get3A_13 = vector.load %arg10[%get3A_11, %get3A_12] : memref<64x64xf32, #tpu.memory_space<vmem>>, vector<64x64xf32>
      %dot_general3A = arith.constant dense<0.000000e+00> : vector<1024x64xf32>
      %dot_general3A_14 = tpu.matmul %get3A_10, %get3A_13, %dot_general3A {dimension_numbers = #tpu.dot_dimension_numbers<[1], [0], [0], [1], [0, 0, 1, 1], [], []>, transpose_lhs_hint = false} : vector<1024x64xf32>, vector<64x64xf32>, vector<1024x64xf32> -> vector<1024x64xf32>
      %get3A_15 = arith.constant 0 : index
      %get3A_16 = arith.constant 0 : index
      %get3A_17 = vector.load %arg2[%get3A_15, %get3A_16] : memref<1024x1xf32, #tpu.memory_space<vmem>>, vector<1024x1xf32>
      %get3A_18 = arith.constant 0 : index
      %get3A_19 = arith.constant 0 : index
      %get3A_20 = vector.load %arg8[%get3A_18, %get3A_19] : memref<8x64xf32, #tpu.memory_space<vmem>>, vector<1x64xf32>
      %mul3A = vector.broadcast %get3A_17 : vector<1024x1xf32> to vector<1024x64xf32>
      %mul3A_21 = vector.broadcast %get3A_20 : vector<1x64xf32> to vector<1024x64xf32>
      %mul3A_22 = arith.mulf %mul3A, %mul3A_21 : vector<1024x64xf32>
      %get3A_23 = arith.constant 0 : index
      %get3A_24 = arith.constant 0 : index
      %get3A_25 = vector.load %arg9[%get3A_23, %get3A_24] : memref<8x64xf32, #tpu.memory_space<vmem>>, vector<1x64xf32>
      %add3A = vector.broadcast %get3A_25 : vector<1x64xf32> to vector<1024x64xf32>
      %add3A_26 = arith.addf %mul3A_22, %add3A : vector<1024x64xf32>
      %concatenate3A = tpu.concatenate %dot_general3A_14, %add3A_26 in 1 : vector<1024x64xf32>, vector<1024x64xf32> -> vector<1024x128xf32>
      %get3A_27 = arith.constant 0 : index
      %get3A_28 = arith.constant 0 : index
      %get3A_29 = vector.load %arg6[%get3A_27, %get3A_28] : memref<64x128xf32, #tpu.memory_space<vmem>>, vector<64x128xf32>
      %dot_general3A_30 = arith.constant dense<0.000000e+00> : vector<1024x128xf32>
      %dot_general3A_31 = tpu.matmul %get3A_7, %get3A_29, %dot_general3A_30 {dimension_numbers = #tpu.dot_dimension_numbers<[1], [0], [0], [1], [0, 0, 1, 1], [], []>, transpose_lhs_hint = false} : vector<1024x64xf32>, vector<64x128xf32>, vector<1024x128xf32> -> vector<1024x128xf32>
      %swap3A = arith.constant 0 : index
      %swap3A_32 = arith.constant 0 : index
      %swap3A_33 = vector.load %arg11[%swap3A, %swap3A_32] : memref<1024x128xf32, #tpu.memory_space<vmem>>, vector<1024x128xf32>
      tpu.vector_store %arg11[%swap3A, %swap3A_32], %concatenate3A {strides = array<i32>} : memref<1024x128xf32, #tpu.memory_space<vmem>>, vector<1024x128xf32>,
      %add3A_34 = arith.addf %concatenate3A, %dot_general3A_31 : vector<1024x128xf32>
      %swap3A_35 = arith.constant 0 : index
      %swap3A_36 = arith.constant 0 : index
      %swap3A_37 = vector.load %arg12[%swap3A_35, %swap3A_36] : memref<1024x128xf32, #tpu.memory_space<vmem>>, vector<1024x128xf32>
      tpu.vector_store %arg12[%swap3A_35, %swap3A_36], %add3A_34 {strides = array<i32>} : memref<1024x128xf32, #tpu.memory_space<vmem>>, vector<1024x128xf32>,
      %get3A_38 = arith.constant 0 : index
      %get3A_39 = arith.constant 0 : index
      %get3A_40 = vector.load %arg7[%get3A_38, %get3A_39] : memref<64x128xf32, #tpu.memory_space<vmem>>, vector<64x128xf32>
      %dot_general3A_41 = arith.constant dense<0.000000e+00> : vector<1024x128xf32>
      %dot_general3A_42 = tpu.matmul %get3A_7, %get3A_40, %dot_general3A_41 {dimension_numbers = #tpu.dot_dimension_numbers<[1], [0], [0], [1], [0, 0, 1, 1], [], []>, transpose_lhs_hint = false} : vector<1024x64xf32>, vector<64x128xf32>, vector<1024x128xf32> -> vector<1024x128xf32>
      %swap3A_43 = arith.constant 0 : index
      %swap3A_44 = arith.constant 0 : index
      %swap3A_45 = vector.load %arg13[%swap3A_43, %swap3A_44] : memref<1024x128xf32, #tpu.memory_space<vmem>>, vector<1024x128xf32>
      tpu.vector_store %arg13[%swap3A_43, %swap3A_44], %dot_general3A_42 {strides = array<i32>} : memref<1024x128xf32, #tpu.memory_space<vmem>>, vector<1024x128xf32>,
    } else {
    }
    return
  }
  func.func @transform_0(%arg0: i32) -> (i32, i32) {
    %min3A = arith.constant 24 : i32
    %min3A_0 = arith.minsi %arg0, %min3A : i32
    %c0_i32 = arith.constant 0 : i32
    %c0_i32_1 = arith.constant 0 : i32
    return %min3A_0, %c0_i32 : i32, i32
  }
  func.func @transform_1(%arg0: i32) -> (i32, i32) {
    %sub3A = arith.constant 25 : i32
    %sub3A_0 = arith.subi %arg0, %sub3A : i32
    %max3A = arith.constant 0 : i32
    %max3A_1 = arith.maxsi %sub3A_0, %max3A : i32
    %c0_i32 = arith.constant 0 : i32
    %c0_i32_2 = arith.constant 0 : i32
    return %max3A_1, %c0_i32 : i32, i32
  }
  func.func @transform_2(%arg0: i32) -> (i32, i32) {
    %sub3A = arith.constant 25 : i32
    %sub3A_0 = arith.subi %arg0, %sub3A : i32
    %max3A = arith.constant 0 : i32
    %max3A_1 = arith.maxsi %sub3A_0, %max3A : i32
    %c0_i32 = arith.constant 0 : i32
    %c0_i32_2 = arith.constant 0 : i32
    return %max3A_1, %c0_i32 : i32, i32
  }
  func.func @transform_3(%arg0: i32) -> (i32, i32) {
    %sub3A = arith.constant 25 : i32
    %sub3A_0 = arith.subi %arg0, %sub3A : i32
    %max3A = arith.constant 0 : i32
    %max3A_1 = arith.maxsi %sub3A_0, %max3A : i32
    %c0_i32 = arith.constant 0 : i32
    %c0_i32_2 = arith.constant 0 : i32
    return %max3A_1, %c0_i32 : i32, i32
  }
  func.func @transform_4(%arg0: i32) -> (i32, i32) {
    %c0_i32 = arith.constant 0 : i32
    %c0_i32_0 = arith.constant 0 : i32
    %c0_i32_1 = arith.constant 0 : i32
    return %c0_i32, %c0_i32_0 : i32, i32
  }
  func.func @transform_5(%arg0: i32) -> (i32, i32) {
    %c0_i32 = arith.constant 0 : i32
    %c0_i32_0 = arith.constant 0 : i32
    %c0_i32_1 = arith.constant 0 : i32
    return %c0_i32, %c0_i32_0 : i32, i32
  }
  func.func @transform_6(%arg0: i32) -> (i32, i32) {
    %c0_i32 = arith.constant 0 : i32
    %c0_i32_0 = arith.constant 0 : i32
    %c0_i32_1 = arith.constant 0 : i32
    return %c0_i32, %c0_i32_0 : i32, i32
  }
  func.func @transform_7(%arg0: i32) -> (i32, i32) {
    %c0_i32 = arith.constant 0 : i32
    %c0_i32_0 = arith.constant 0 : i32
    %c0_i32_1 = arith.constant 0 : i32
    return %c0_i32, %c0_i32_0 : i32, i32
  }
  func.func @transform_8(%arg0: i32) -> (i32, i32) {
    %c0_i32 = arith.constant 0 : i32
    %c0_i32_0 = arith.constant 0 : i32
    %c0_i32_1 = arith.constant 0 : i32
    return %c0_i32, %c0_i32_0 : i32, i32
  }
  func.func @transform_9(%arg0: i32) -> (i32, i32) {
    %c0_i32 = arith.constant 0 : i32
    %c0_i32_0 = arith.constant 0 : i32
    %c0_i32_1 = arith.constant 0 : i32
    return %c0_i32, %c0_i32_0 : i32, i32
  }
  func.func @transform_10(%arg0: i32) -> (i32, i32) {
    %c0_i32 = arith.constant 0 : i32
    %c0_i32_0 = arith.constant 0 : i32
    return %arg0, %c0_i32 : i32, i32
  }
  func.func @transform_11(%arg0: i32) -> (i32, i32) {
    %c0_i32 = arith.constant 0 : i32
    %c0_i32_0 = arith.constant 0 : i32
    return %arg0, %c0_i32 : i32, i32
  }
  func.func @transform_12(%arg0: i32) -> (i32, i32) {
    %c0_i32 = arith.constant 0 : i32
    %c0_i32_0 = arith.constant 0 : i32
    return %arg0, %c0_i32 : i32, i32
  }
}

module attributes {stable_mosaic.version = 14 : i64} {
  func.func @_deg_body(%arg0: i32, %arg1: memref<1x1x4096xi32, #tpu.memory_space<vmem>>, %arg2: memref<224x128xf32, #tpu.memory_space<vmem>>) attributes {dimension_semantics = [#tpu.dimension_semantics<arbitrary>], iteration_bounds = array<i64: 64>, scalar_prefetch = 0 : i64, scratch_operands = 0 : i64, tpu.core_type = #tpu.core_type<tc>, window_params = [{transform_indices = @transform_0, window_bounds = array<i64: 1, 1, 4096>}, {pipeline_mode = #tpu.pipeline_mode<synchronous>, transform_indices = @transform_1, window_bounds = array<i64: 224, 128>}]} {
    %get3A = arith.constant 0 : index
    %get3A_0 = arith.constant 0 : index
    %get3A_1 = arith.constant 0 : index
    %get3A_2 = vector.load %arg1[%get3A, %get3A_0, %get3A_1] : memref<1x1x4096xi32, #tpu.memory_space<vmem>>, vector<1x1x4096xi32>
    %reshape3A = vector.shape_cast %get3A_2 : vector<1x1x4096xi32> to vector<1x4096xi32>
    %shift_right_logical3A = arith.constant 7 : i32
    %shift_right_logical3A_3 = vector.broadcast %shift_right_logical3A : i32 to vector<1x4096xi32>
    %shift_right_logical3A_4 = arith.shrui %reshape3A, %shift_right_logical3A_3 : vector<1x4096xi32>
    %and3A = arith.constant 127 : i32
    %and3A_5 = vector.broadcast %and3A : i32 to vector<1x4096xi32>
    %and3A_6 = arith.andi %reshape3A, %and3A_5 : vector<1x4096xi32>
    %iota3A = tpu.iota {dimensions = array<i32: 0>} : vector<224x4096xi32>
    %eq3A = vector.broadcast %shift_right_logical3A_4 : vector<1x4096xi32> to vector<224x4096xi32>
    %eq3A_7 = arith.cmpi eq, %iota3A, %eq3A : vector<224x4096xi32>
    %convert_element_type3A = arith.extui %eq3A_7 : vector<224x4096xi1> to vector<224x4096xi32>
    %convert_element_type3A_8 = arith.sitofp %convert_element_type3A : vector<224x4096xi32> to vector<224x4096xf32>
    %convert_element_type3A_9 = arith.truncf %convert_element_type3A_8 : vector<224x4096xf32> to vector<224x4096xbf16>
    %iota3A_10 = tpu.iota {dimensions = array<i32: 0>} : vector<128x4096xi32>
    %eq3A_11 = vector.broadcast %and3A_6 : vector<1x4096xi32> to vector<128x4096xi32>
    %eq3A_12 = arith.cmpi eq, %iota3A_10, %eq3A_11 : vector<128x4096xi32>
    %convert_element_type3A_13 = arith.extui %eq3A_12 : vector<128x4096xi1> to vector<128x4096xi32>
    %convert_element_type3A_14 = arith.sitofp %convert_element_type3A_13 : vector<128x4096xi32> to vector<128x4096xf32>
    %convert_element_type3A_15 = arith.truncf %convert_element_type3A_14 : vector<128x4096xf32> to vector<128x4096xbf16>
    %dot_general3A = arith.constant dense<0.000000e+00> : vector<224x128xf32>
    %dot_general3A_16 = tpu.matmul %convert_element_type3A_9, %convert_element_type3A_15, %dot_general3A {dimension_numbers = #tpu.dot_dimension_numbers<[1], [1], [0], [0], [0, 0, 1, 0], [], []>, transpose_lhs_hint = false} : vector<224x4096xbf16>, vector<128x4096xbf16>, vector<224x128xf32> -> vector<224x128xf32>
    %eq3A_17 = arith.constant 0 : i32
    %eq3A_18 = arith.cmpi eq, %arg0, %eq3A_17 : i32
    %convert_element_type3A_19 = arith.extui %eq3A_18 : i1 to i32
    %cond3A = arith.constant 0 : i32
    %cond3A_20 = arith.cmpi ne, %convert_element_type3A_19, %cond3A : i32
    scf.if %cond3A_20 {
      %swap3A = arith.constant 0 : index
      %swap3A_25 = arith.constant 0 : index
      %swap3A_26 = vector.load %arg2[%swap3A, %swap3A_25] : memref<224x128xf32, #tpu.memory_space<vmem>>, vector<224x128xf32>
      tpu.vector_store %arg2[%swap3A, %swap3A_25], %dot_general3A_16 {strides = array<i32>} : memref<224x128xf32, #tpu.memory_space<vmem>>, vector<224x128xf32>,
    } else {
    }
    %gt3A = arith.constant 0 : i32
    %gt3A_21 = arith.cmpi sgt, %arg0, %gt3A : i32
    %convert_element_type3A_22 = arith.extui %gt3A_21 : i1 to i32
    %cond3A_23 = arith.constant 0 : i32
    %cond3A_24 = arith.cmpi ne, %convert_element_type3A_22, %cond3A_23 : i32
    scf.if %cond3A_24 {
      %get3A_25 = arith.constant 0 : index
      %get3A_26 = arith.constant 0 : index
      %get3A_27 = vector.load %arg2[%get3A_25, %get3A_26] : memref<224x128xf32, #tpu.memory_space<vmem>>, vector<224x128xf32>
      %add3A = arith.addf %get3A_27, %dot_general3A_16 : vector<224x128xf32>
      %swap3A = arith.constant 0 : index
      %swap3A_28 = arith.constant 0 : index
      %swap3A_29 = vector.load %arg2[%swap3A, %swap3A_28] : memref<224x128xf32, #tpu.memory_space<vmem>>, vector<224x128xf32>
      tpu.vector_store %arg2[%swap3A, %swap3A_28], %add3A {strides = array<i32>} : memref<224x128xf32, #tpu.memory_space<vmem>>, vector<224x128xf32>,
    } else {
    }
    return
  }
  func.func @transform_0(%arg0: i32) -> (i32, i32, i32) {
    %c0_i32 = arith.constant 0 : i32
    %c0_i32_0 = arith.constant 0 : i32
    %c0_i32_1 = arith.constant 0 : i32
    return %arg0, %c0_i32, %c0_i32_0 : i32, i32, i32
  }
  func.func @transform_1(%arg0: i32) -> (i32, i32) {
    %c0_i32 = arith.constant 0 : i32
    %c0_i32_0 = arith.constant 0 : i32
    %c0_i32_1 = arith.constant 0 : i32
    return %c0_i32, %c0_i32_0 : i32, i32
  }
}

module attributes {stable_mosaic.version = 14 : i64} {
  func.func @_comb_body(%arg0: i32, %arg1: memref<1752x64xf32, #tpu.memory_space<vmem>>, %arg2: memref<1752x64xf32, #tpu.memory_space<vmem>>, %arg3: memref<1752x128xf32, #tpu.memory_space<vmem>>, %arg4: memref<1752x128xf32, #tpu.memory_space<vmem>>, %arg5: memref<1752x1xf32, #tpu.memory_space<vmem>>, %arg6: memref<1752x128xf32, #tpu.memory_space<vmem>>) attributes {dimension_semantics = [#tpu.dimension_semantics<arbitrary>], iteration_bounds = array<i64: 16>, scalar_prefetch = 0 : i64, scratch_operands = 0 : i64, tpu.core_type = #tpu.core_type<tc>, window_params = [{transform_indices = @transform_0, window_bounds = array<i64: 1752, 64>}, {transform_indices = @transform_1, window_bounds = array<i64: 1752, 64>}, {transform_indices = @transform_2, window_bounds = array<i64: 1752, 128>}, {transform_indices = @transform_3, window_bounds = array<i64: 1752, 128>}, {transform_indices = @transform_4, window_bounds = array<i64: 1752, 1>}, {transform_indices = @transform_5, window_bounds = array<i64: 1752, 128>}]} {
    %get3A = arith.constant 0 : index
    %get3A_0 = arith.constant 0 : index
    %get3A_1 = vector.load %arg1[%get3A, %get3A_0] : memref<1752x64xf32, #tpu.memory_space<vmem>>, vector<1752x64xf32>
    %get3A_2 = arith.constant 0 : index
    %get3A_3 = arith.constant 0 : index
    %get3A_4 = vector.load %arg2[%get3A_2, %get3A_3] : memref<1752x64xf32, #tpu.memory_space<vmem>>, vector<1752x64xf32>
    %concatenate3A = tpu.concatenate %get3A_1, %get3A_4 in 1 : vector<1752x64xf32>, vector<1752x64xf32> -> vector<1752x128xf32>
    %get3A_5 = arith.constant 0 : index
    %get3A_6 = arith.constant 0 : index
    %get3A_7 = vector.load %arg3[%get3A_5, %get3A_6] : memref<1752x128xf32, #tpu.memory_space<vmem>>, vector<1752x128xf32>
    %add3A = arith.addf %concatenate3A, %get3A_7 : vector<1752x128xf32>
    %get3A_8 = arith.constant 0 : index
    %get3A_9 = arith.constant 0 : index
    %get3A_10 = vector.load %arg5[%get3A_8, %get3A_9] : memref<1752x1xf32, #tpu.memory_space<vmem>>, vector<1752x1xf32>
    %get3A_11 = arith.constant 0 : index
    %get3A_12 = arith.constant 0 : index
    %get3A_13 = vector.load %arg4[%get3A_11, %get3A_12] : memref<1752x128xf32, #tpu.memory_space<vmem>>, vector<1752x128xf32>
    %mul3A = vector.broadcast %get3A_10 : vector<1752x1xf32> to vector<1752x128xf32>
    %mul3A_14 = arith.mulf %mul3A, %get3A_13 : vector<1752x128xf32>
    %add3A_15 = arith.addf %add3A, %mul3A_14 : vector<1752x128xf32>
    %swap3A = arith.constant 0 : index
    %swap3A_16 = arith.constant 0 : index
    %swap3A_17 = vector.load %arg6[%swap3A, %swap3A_16] : memref<1752x128xf32, #tpu.memory_space<vmem>>, vector<1752x128xf32>
    tpu.vector_store %arg6[%swap3A, %swap3A_16], %add3A_15 {strides = array<i32>} : memref<1752x128xf32, #tpu.memory_space<vmem>>, vector<1752x128xf32>,
    return
  }
  func.func @transform_0(%arg0: i32) -> (i32, i32) {
    %c0_i32 = arith.constant 0 : i32
    %c0_i32_0 = arith.constant 0 : i32
    return %arg0, %c0_i32 : i32, i32
  }
  func.func @transform_1(%arg0: i32) -> (i32, i32) {
    %c0_i32 = arith.constant 0 : i32
    %c0_i32_0 = arith.constant 0 : i32
    return %arg0, %c0_i32 : i32, i32
  }
  func.func @transform_2(%arg0: i32) -> (i32, i32) {
    %c0_i32 = arith.constant 0 : i32
    %c0_i32_0 = arith.constant 0 : i32
    return %arg0, %c0_i32 : i32, i32
  }
  func.func @transform_3(%arg0: i32) -> (i32, i32) {
    %c0_i32 = arith.constant 0 : i32
    %c0_i32_0 = arith.constant 0 : i32
    return %arg0, %c0_i32 : i32, i32
  }
  func.func @transform_4(%arg0: i32) -> (i32, i32) {
    %c0_i32 = arith.constant 0 : i32
    %c0_i32_0 = arith.constant 0 : i32
    return %arg0, %c0_i32 : i32, i32
  }
  func.func @transform_5(%arg0: i32) -> (i32, i32) {
    %c0_i32 = arith.constant 0 : i32
    %c0_i32_0 = arith.constant 0 : i32
    return %arg0, %c0_i32 : i32, i32
  }
}

</mosaic_0001>

<sc_bundles>
// kernel: kernel.6.cloned.1.call-start
scs
__scs_entry_jumppad:
0x0: {  	(pc) =	sbr.rel $0x88, $3  }
0x1: {  	(tag) =	ssettag $0x0;
	lr =	simm.s32 $0x1  }
0x2: {  	[smem:$0x3F99] =	sst lr;
	_ =	strace $0xD0000000  }
0x3: {  	_ = 	snop  }
0x4: {  	_ = 	snop  }
0x5: {  	_ = 	snop  }
0x6: {  	_ = 	snop  }
0x7: {  	_ = 	snop  }
__scs_overlays_trampoline_lowered:
0x8: {  	[smem:$0x3FA8] =	sst s0  }
0x9: {  	[smem:$0x3FA9] =	sst s1  }
0xa: {  	[smem:$0x3FAA] =	sst s2  }
0xb: {  	[smem:$0x3FAB] =	sst s3  }
0xc: {  	[smem:$0x3FAC] =	sst s4  }
0xd: {  	[smem:$0x3FAD] =	sst s5  }
0xe: {  	[smem:$0x3FAE] =	sst s6  }
0xf: {  	[smem:$0x3FAF] =	sst s7  }
0x10: {  	[smem:$0x3FB0] =	sst s8  }
0x11: {  	[smem:$0x3FB1] =	sst s9;
	s0 =	simm.s32 @!p0 $0x0  }
0x12: {  	s1 =	sld [smem:$0x3F97];
	s0 =	simm.s32 @p0 $0x1  }
0x13: {  	[smem:$0x3FB2] =	sst s0;
	s0 =	simm.s32 @!p1 $0x0  }
0x14: {  	s2 =	sld [smem:$0x3F96];
	s0 =	simm.s32 @p1 $0x1  }
0x15: {  	[smem:$0x3FB3] =	sst s0;
	s0 =	simm.s32 @!p2 $0x0  }
0x16: {  	s3 =	sld [smem:$0x3FDB];
	s0 =	simm.s32 @p2 $0x1  }
0x17: {  	s4 =	simm.s32 $0x1BF5;
	[smem:$0x3FB5] =	sst s0  }
0x18: {  	s0 =	sld [smem:$0x3F98];
	_ =	swait.ge [sflag:s4], $0x0  }
0x19: {  	s7 =	sld [smem:$0x3F99]  }
0x1a: {  	s8 =	sadd.s32 $0xFFFFE003, lr  }
0x1b: {  	s9 =	sadd.s32 $0xFFFFFEF7, lr;
	s5 =	simm.s32 $0xFFFFFFFF;
	p2 =	slt.u32 s8, $0xFFFFF086  }
0x1c: {  	p1 =	slt.u32 s9, $0xF7A;
	s5 =	simm.s32 @!p2 $0x0  }
0x1d: {  	s5 =	simm.s32 @p1 $0x1;
	p0 =	seq.s32 s7, s2  }
0x1e: {  	s7 =	smul.u32 @!p0 $0xF7A, s2;
	p2 =	seq.s32 @!p0 s5, $0x0  }
0x1f: {  	s9 =	smul.u32 $0xF7A, s1;
	s8 =	simm.s32 @!p0 $0x1BF5;
	p2 =	por !p2, p0  }
0x20: {  	[sflag:s8] =	ssyncset.s32 @!p0 $0xFFFFF086;
	s6 =	sadd.s32 @!p0 s3, s7;
	s7 =	simm.s32 @!p0 $0x108  }
0x21: {  	s3 =	sadd.s32 s3, s9;
	s6 =	sadd.s32 @!p0 $0x88, s6;
	s7 =	simm.s32 @p2 $0x1082  }
0x22: {  	[simem:s7], [sflag:s8] =	dma.local @!p0 [hbm:s6], $0xF7A  }
0x23: {  	s9 =	sor.u32 $0xD0000000, s2;
	s6 =	simm.s32 $0x108;
	_ =	swait.ge @!p0 [sflag:s8], $0x0  }
0x24: {  	s3 =	sadd.s32 $0x88, s3;
	s6 =	simm.s32 @!p1 $0x1082;
	[sflag:s4] =	ssyncset.s32 $0xFFFFF086  }
0x25: {  	[simem:s6], [sflag:s4] =	dma.local [hbm:s3], $0xF7A  }
0x26: {  	[smem:$0x3F99] =	sst s1;
	(tag) =	ssettag s2;
	_ =	strace s9  }
0x27: {  	s1 =	sld [smem:$0x3FA9]  }
0x28: {  	s2 =	sld [smem:$0x3FAA]  }
0x29: {  	s4 =	sld [smem:$0x3FAC]  }
0x2a: {  	p0 =	seq.s32 s5, $0x0;
	s5 =	sld [smem:$0x3FAD]  }
0x2b: {  	s6 =	sld [smem:$0x3FAE]  }
0x2c: {  	s7 =	sld [smem:$0x3FAF]  }
0x2d: {  	s3 =	simm.s32 $0x108;
	s8 =	sld [smem:$0x3FB0]  }
0x2e: {  	s3 =	simm.s32 @!p0 $0x1082;
	s9 =	sld [smem:$0x3FB1]  }
0x2f: {  	lr =	sadd.s32 s0, s3;
	s0 =	sld [smem:$0x3FA8]  }
0x30: {  	s3 =	sld [smem:$0x3FAB]  }
0x31: {  	[smem:$0x3FB4] =	sst s10  }
0x32: {  	s10 =	sld [smem:$0x3FB2];
	_ =	sdelay $0x3  }
0x33: {  	p0 =	seq.s32 s10, $0x1;
	s10 =	sld [smem:$0x3FB4];
	_ =	sdelay $0x3  }
0x34: {  	[smem:$0x3FB4] =	sst s10  }
0x35: {  	s10 =	sld [smem:$0x3FB3];
	_ =	sdelay $0x3  }
0x36: {  	p1 =	seq.s32 s10, $0x1;
	s10 =	sld [smem:$0x3FB4];
	_ =	sdelay $0x3  }
0x37: {  	[smem:$0x3FB4] =	sst s10  }
0x38: {  	s10 =	sld [smem:$0x3FB5]  }
0x39: {  	_ = 	snop;
	(pc) =	sbr.ind lr, $3  }
0x3a: {  	_ = 	snop  }
0x3b: {  	_ = 	snop  }
0x3c: {  	p2 =	seq.s32 s10, $0x1;
	s10 =	sld [smem:$0x3FB4]  }
0x3d: {  	_ =	shalt  }
0x3e: {  	_ =	shalt  }
0x3f: {  	_ =	shalt  }
0x40: {  	_ =	shalt  }
0x41: {  	_ =	shalt  }
0x42: {  	_ =	shalt  }
0x43: {  	_ =	shalt  }
0x44: {  	_ =	shalt  }
0x45: {  	_ =	shalt  }
0x46: {  	_ =	shalt  }
0x47: {  	_ =	shalt  }
0x48: {  	_ =	shalt  }
0x49: {  	_ =	shalt  }
0x4a: {  	_ =	shalt  }
0x4b: {  	_ =	shalt  }
0x4c: {  	_ =	shalt  }
0x4d: {  	_ =	shalt  }
0x4e: {  	_ =	shalt  }
0x4f: {  	_ =	shalt  }
0x50: {  	_ =	shalt  }
0x51: {  	_ =	shalt  }
0x52: {  	_ =	shalt  }
0x53: {  	_ =	shalt  }
0x54: {  	_ =	shalt  }
0x55: {  	_ =	shalt  }
0x56: {  	_ =	shalt  }
0x57: {  	_ =	shalt  }
0x58: {  	_ =	shalt  }
0x59: {  	_ =	shalt  }
0x5a: {  	_ =	shalt  }
0x5b: {  	_ =	shalt  }
0x5c: {  	_ =	shalt  }
0x5d: {  	_ =	shalt  }
0x5e: {  	_ =	shalt  }
0x5f: {  	_ =	shalt  }
0x60: {  	_ =	shalt  }
0x61: {  	_ =	shalt  }
0x62: {  	_ =	shalt  }
0x63: {  	_ =	shalt  }
0x64: {  	_ =	shalt  }
0x65: {  	_ =	shalt  }
0x66: {  	_ =	shalt  }
0x67: {  	_ =	shalt  }
0x68: {  	_ =	shalt  }
0x69: {  	_ =	shalt  }
0x6a: {  	_ =	shalt  }
0x6b: {  	_ =	shalt  }
0x6c: {  	_ =	shalt  }
0x6d: {  	_ =	shalt  }
0x6e: {  	_ =	shalt  }
0x6f: {  	_ =	shalt  }
0x70: {  	_ =	shalt  }
0x71: {  	_ =	shalt  }
0x72: {  	_ =	shalt  }
0x73: {  	_ =	shalt  }
0x74: {  	_ =	shalt  }
0x75: {  	_ =	shalt  }
0x76: {  	_ =	shalt  }
0x77: {  	_ =	shalt  }
0x78: {  	_ =	shalt  }
0x79: {  	_ =	shalt  }
0x7a: {  	_ =	shalt  }
0x7b: {  	_ =	shalt  }
0x7c: {  	_ =	shalt  }
0x7d: {  	_ =	shalt  }
0x7e: {  	_ =	shalt  }
0x7f: {  	_ =	shalt  }
0x80: {  	_ =	shalt  }
0x81: {  	_ =	shalt  }
0x82: {  	_ =	shalt  }
0x83: {  	_ =	shalt  }
0x84: {  	_ =	shalt  }
0x85: {  	_ =	shalt  }
0x86: {  	_ =	shalt  }
0x87: {  	_ =	shalt  }
.Lfunc_end0:
.L_simem_size_0:
called_computation_lowered:
.L_overlay_start_0:
0x88: {  	s2 =	sld [smem:$0x3FD9]  }
0x89: {  	s3 =	sld [smem:$0x3FFE];
	_ =	sdelay $0x1  }
0x8a: {  	s1 =	srdreg.scid  }
0x8b: {  	s0 =	sand.u32 $0x1, s1  }
0x8c: {  	s17 =	sshll.u32 s0, $0xA;
	s2 =	sadd.s32 s3, s2  }
0x8d: {  	s2 =	sadd.s32 s2, s17  }
0x8e: {  	[smem:$0x3FC0] =	sst s2  }
0x8f: {  	_ = 	snop  }
0x90: {  	s2 =	sld [smem:$0x3FD0];
	(tm) =	ssettm $0x1  }
0x91: {  	s18 =	sld [smem:$0x3FFB];
	_ =	sdelay $0x3  }
0x92: {  	_ =	strace s18  }
0x93: {  	s3 =	sld [smem:$0x3FFC];
	_ =	sdelay $0x3  }
0x94: {  	_ =	strace s3  }
0x95: {  	s3 =	sld [smem:$0x3FFD];
	_ =	sdelay $0x3  }
0x96: {  	_ =	strace s3  }
0x97: {  	_ =	strace $0x8FFFFFFF  }
0x98: {  	s19 =	sld [smem:$0x3FDB];
	_ =	sdelay $0x1  }
0x99: {  	s4 =	simm.s32 $_scs_section_size  }
0x9a: {  	s5 =	simm.s32 $_size__tile_overlayer_lowered;
	s6 =	simm.s32 $_tile_overlayer_lowered  }
0x9b: {  	s22 =	simm.s32 $0x1BFF;
	s21 =	sshll.u32 s6, $0x1;
	s3 =	sadd.s32 s4, s19  }
0x9c: {  	s7 =	simm.s32 $0x0;
	s20 =	sshll.u32 s5, $0x1;
	s5 =	sadd.s32 s21, s3  }
0x9d: {  	[timem:s7], [sflag:s22] =	dma.local [hbm:s5], s20  }
0x9e: {  	_ =	swait.ge [sflag:s22], s20  }
0x9f: {  	s4 =	ssub.s32 $0x0, s20;
	[sflag:s22] =	ssyncset.done $0x0  }
0xa0: {  	[sflag:s22] =	ssyncadd.s32 s4;
	_ =	sdelay $0x1  }
0xa1: {  	s23 =	simm.s32 $0x1B8B  }
0xa2: {  	_ =	swait.ge [sflag:s23], $0x1  }
0xa3: {  	[sflag:s23] =	ssyncset.done $0x0  }
0xa4: {  	s25 =	simm.s32 $0x1B8E;
	s24 =	sld [smem:$0x3FFE];
	[sflag:s23] =	ssyncadd.s32 $0xFFFFFFFF  }
0xa5: {  	s26 =	simm.s32 $execute0_lowered;
	[smem:$0x3FD2] =	sst s25  }
0xa6: {  	s5 =	sshll.u32 s26, $0x1;
	_ =	strace $0x80000046;
	[dreg:$0x1] =	wrdreg $0xFFFFFFFF  }
0xa7: {  	s28 =	simm.s32 $_size_execute0_lowered;
	s3 =	sadd.s32 s3, s5;
	[dreg:$0x0] =	wrdreg $0x0  }
0xa8: {  	s5 =	sshll.u32 s28, $0x1;
	[dreg:$0x2] =	wrdreg s3  }
0xa9: {  	[dreg:$0x3] =	wrdreg s5  }
0xaa: {  	[dreg:$0x4] =	wrdreg $0xC0  }
0xab: {  	_ =	task [dreg:s7], $0x5FFFF  }
0xac: {  	[dreg:$0x1] =	wrdreg $0xFFFFFFFF  }
0xad: {  	[dreg:$0x0] =	wrdreg $0x60  }
0xae: {  	[dreg:$0x2] =	wrdreg s24  }
0xaf: {  	[dreg:$0x3] =	wrdreg s2  }
0xb0: {  	[dreg:$0x4] =	wrdreg $0x0  }
0xb1: {  	[dreg:$0x5] =	wrdreg $0x9  }
0xb2: {  	_ =	task.clear_ibuf [dreg:s7], $0x6FFFF;
	_ =	strace $0x90000046  }
0xb3: {  	s29 =	simm.s32 $0x9;
	_ =	strace $0x80000048  }
0xb4: {  	_ =	swait.ge [sflag:s29], $0x1  }
0xb5: {  	[sflag:s29] =	ssyncadd.s32 $0xFFFFFFFF  }
0xb6: {  	_ =	strace $0x90000048  }
0xb7: {  	_ =	sfence  }
0xb8: {  	s30 =	sld [smem:$0x0];
	_ =	sdelay $0x2  }
0xb9: {  	s31 =	sshll.u32 s1, $0xD;
	s1 =	sshrl.u32 s1, $0x2  }
0xba: {  	s3 =	sand.u32 $0x4000, s31;
	s1 =	sadd.s32 s1, s30  }
0xbb: {  	s0 =	sor.u32 s3, s0;
	s1 =	sshll.u32 s1, $0x11  }
0xbc: {  	s0 =	sor.u32 s1, s0  }
0xbd: {  	s0 =	sadd.s32 $0x8F2B, s0  }
0xbe: {  	[sflag:s0] =	ssyncadd.remote.s32 $0x1  }
0xbf: {  	_ =	sfence.sel $0xFFFF  }
0xc0: {  	[dreg:$0x0] =	wrdreg $0xFFFFFFFF;
	(pc) =	sbr.abs _section_cstart, $3  }
0xc1: {  	[dreg:$0x1] =	wrdreg $0xFFFFFFFF  }
0xc2: {  	_ =	task.clear_ibuf [dreg:s7], $0x2FFFF;
	_ =	strace $0x9FFFFFFF  }
0xc3: {  	(tm) =	ssettm $0x7FFFFFFF  }
tec
execute0_lowered:
.L_overlay_start_1:
0x0: {  	(tag) =	ssettag $0x1  }
0x1: {  	s0 =	rddreg [dreg:$0x0]  }
0x2: {  	s2 =	rddreg [dreg:$0x2]  }
0x3: {  	s4 =	simm.s32 $0x0;
	s8 =	stileid.u32;
	s3 =	srdreg.scid  }
0x4: {  	[smem:$0x7FF] =	sst s4;
	s1 =	sadd.s32 $0x169600, s0;
	s9 =	sshll.u32 s8, $0xB  }
0x5: {  	s5 =	smul.u32 $0x6D800, s8;
	s6 =	sadd.s32 $0x19600, s0;
	_ =	strace $0x80000047  }
0x6: {  	[dreg:$0x6] =	wrdreg s1;
	s1 =	sadd.s32 s9, s0;
	s0 =	sadd.s32 $0x169A00, s0  }
0x7: {  	s9 =	smul.u32 $0x1B600, s8;
	[dreg:$0x7] =	wrdreg s0;
	s20 =	sadd.s32 $0x11600, s1  }
0x8: {  	s28 =	simm.s32 $0x1B600;
	s23 =	sadd.s32 $0x9600, s1;
	[dreg:$0x4] =	wrdreg s20  }
0x9: {  	s5 =	sshrl.u32 s5, $0x2;
	[dreg:$0x5] =	wrdreg s23;
	s26 =	sshrl.u32 s9, $0x3  }
0xa: {  	s5 =	sadd.s32 s5, s2;
	s22 =	sadd.s32 s9, s2;
	[dreg:$0x16] =	wrdreg s26  }
0xb: {  	s29 =	simm.s32 $0x1BA00;
	s11 =	sadd.s32 $0x2000, s5;
	[dreg:$0x8] =	wrdreg s22  }
0xc: {  	s30 =	simm.s32 $0x80;
	s12 =	sadd.s32 $0x4000, s5;
	[dreg:$0x9] =	wrdreg s11  }
0xd: {  	s31 =	simm.s32 $0x1B680;
	s13 =	sadd.s32 $0x6000, s5;
	[dreg:$0xa] =	wrdreg s12  }
0xe: {  	s3 =	sand.u32 $0x1, s3;
	s14 =	sadd.s32 $0x8000, s5;
	[dreg:$0xb] =	wrdreg s13  }
0xf: {  	s7 =	ssub.s32 $0x2, s3;
	s15 =	sadd.s32 $0xA000, s5;
	[dreg:$0xc] =	wrdreg s14  }
0x10: {  	p0 =	sne.s32 s3, $0x0;
	s16 =	sadd.s32 $0xC000, s5;
	[dreg:$0xd] =	wrdreg s15  }
0x11: {  	s3 =	simm.s32 $0x1B700;
	s17 =	sadd.s32 $0xE000, s5;
	[dreg:$0xe] =	wrdreg s16  }
0x12: {  	s8 =	simm.s32 $0x0;
	s18 =	sadd.s32 $0x10000, s5;
	[dreg:$0xf] =	wrdreg s17  }
0x13: {  	s10 =	sshrl.u32 s7, $0x1;
	s19 =	sadd.s32 $0x12000, s5;
	[dreg:$0x10] =	wrdreg s18  }
0x14: {  	s0 =	ssub.s32 s7, s10;
	s21 =	sadd.s32 $0x14000, s5;
	[dreg:$0x11] =	wrdreg s19  }
0x15: {  	s7 =	simm.s32 $0x3;
	s24 =	sadd.s32 $0x16000, s5;
	[dreg:$0x12] =	wrdreg s21  }
0x16: {  	s9 =	simm.s32 $0x1BA80;
	s25 =	sadd.s32 $0x18000, s5;
	[dreg:$0x13] =	wrdreg s24  }
0x17: {  	s10 =	simm.s32 $0x4;
	s5 =	sadd.s32 $0x1A000, s5;
	[dreg:$0x14] =	wrdreg s25  }
0x18: {  	s20 =	simm.s32 $0x1BD00;
	s0 =	smax.u32 s0, $0x1;
	[dreg:$0x15] =	wrdreg s5  }
0x19: {  	s26 =	simm.s32 $0x5;
	[dreg:$0x17] =	wrdreg s0;
	s24 =	sadd.s32 $0x1600, s1  }
.Ltmp0:
0x1a: {  	s25 =	simm.s32 $0x1BE00;
	s0 =	simm.s32 $0x1DE00;
	(pc) =	sbr.rel .LBB2_1-.Ltmp0, $4  }
0x1b: {  	s1 =	simm.s32 $0x1;
	s5 =	simm.s32 $0x2;
	s11 =	simm.s32 $0x1B780  }
0x1c: {  	s12 =	simm.s32 $0x1BB00;
	s13 =	simm.s32 $0x1B800;
	s14 =	simm.s32 $0x1BB80  }
0x1d: {  	s15 =	simm.s32 $0x1B880;
	s16 =	simm.s32 $0x1BC00;
	s17 =	simm.s32 $0x1B900  }
0x1e: {  	s18 =	simm.s32 $0x1BC80;
	s19 =	simm.s32 $0x1B980;
	s21 =	simm.s32 $0x1BD80  }
.LBB2_7:
0x1f: {  	[sflag:s10] =	ssyncadd.s32 $0xFFFFE000;
	s23 =	rddreg [dreg:$0x7]  }
.LBB2_8:
0x20: {  	s8 =	rddreg [dreg:$0x16]  }
0x21: {  	s22 =	stileid.u32;
	s8 =	sadd.s32 s23, s8  }
0x22: {  	s22 =	sshll.u32 s22, $0x6;
	[dreg:$0x19] =	wrdreg s8  }
0x23: {  	s22 =	sor.u32 $0x1C05, s22;
	[bflag:$0x0] =	sbarrier.arrive $0xFFFF  }
0x24: {  	[dreg:$0x1a] =	wrdreg s22  }
0x25: {  	s23 =	rddreg [dreg:$0x8]  }
0x26: {  	s8 =	rddreg [dreg:$0x19]  }
0x27: {  	s23 =	sshrl.u32 s23, $0x3;
	s22 =	rddreg [dreg:$0x1a]  }
0x28: {  	[hbm:s8], [sflag:s22] =	dma.local [spmem:s23], $0x36C0  }
0x29: {  	s22 =	rddreg [dreg:$0x8];
	_ =	swait.ge [sflag:s26], $0x36C0  }
0x2a: {  	s8 =	rddreg [dreg:$0x18]  }
0x2b: {  	s23 =	sadd.s32 $0x1, s8;
	s8 =	rddreg [dreg:$0x17]  }
0x2c: {  	p1 =	sne.s32 s23, s8  }
.Ltmp1:
0x2d: {  	_ = 	snop;
	(pc) =	sbr.rel @!p1 .LBB2_9-.Ltmp1, $3  }
0x2e: {  	_ =	sdelay $0x1  }
0x2f: {  	[sflag:s26] =	ssyncset.done $0x0  }
0x30: {  	[sflag:s26] =	ssyncadd.s32 $0xFFFFC940;
	s8 =	smov.u32 s23  }
.LBB2_1:
0x31: {  	[dreg:$0x18] =	wrdreg s8  }
0x32: {  	s23 =	rddreg [dreg:$0x6]  }
0x33: {  	[tilespmem:s25], [sflag:$0x5] =	stream.linear.gather [hbm4b:s23+s4], $0x2000, $0x38;
	[tilespmem:$0x1FE00] =	vst v63  }
0x34: {  	_ =	swait.ge [sflag:s26], $0x2000  }
0x35: {  	[sflag:s26] =	ssyncset.done $0x0  }
0x36: {  	[sflag:s26] =	ssyncadd.s32 $0xFFFFE000  }
0x37: {  	[spmem:s22] =	stream.linear.scatter [tilespmem:s25], [sflag:$0x5], $0x2000, $0x38;
	[tilespmem:$0x1FE00] =	vst v63  }
0x38: {  	_ =	swait.ge [sflag:s26], $0x2000  }
0x39: {  	[sflag:s26] =	ssyncset.done $0x0  }
0x3a: {  	s23 =	rddreg [dreg:$0x9];
	[sflag:s26] =	ssyncadd.s32 $0xFFFFE000  }
0x3b: {  	[spmem:s23] =	stream.linear.scatter [tilespmem:s25], [sflag:$0x5], $0x2000, $0x38;
	[tilespmem:$0x1FE00] =	vst v63  }
0x3c: {  	_ =	swait.ge [sflag:s26], $0x2000  }
0x3d: {  	[sflag:s26] =	ssyncset.done $0x0  }
0x3e: {  	s22 =	rddreg [dreg:$0xa];
	[sflag:s26] =	ssyncadd.s32 $0xFFFFE000  }
0x3f: {  	[spmem:s22] =	stream.linear.scatter [tilespmem:s25], [sflag:$0x5], $0x2000, $0x38;
	[tilespmem:$0x1FE00] =	vst v63  }
0x40: {  	_ =	swait.ge [sflag:s26], $0x2000  }
0x41: {  	[sflag:s26] =	ssyncset.done $0x0  }
0x42: {  	s23 =	rddreg [dreg:$0xb];
	[sflag:s26] =	ssyncadd.s32 $0xFFFFE000  }
0x43: {  	[spmem:s23] =	stream.linear.scatter [tilespmem:s25], [sflag:$0x5], $0x2000, $0x38;
	[tilespmem:$0x1FE00] =	vst v63  }
0x44: {  	_ =	swait.ge [sflag:s26], $0x2000  }
0x45: {  	[sflag:s26] =	ssyncset.done $0x0  }
0x46: {  	s22 =	rddreg [dreg:$0xc];
	[sflag:s26] =	ssyncadd.s32 $0xFFFFE000  }
0x47: {  	[spmem:s22] =	stream.linear.scatter [tilespmem:s25], [sflag:$0x5], $0x2000, $0x38;
	[tilespmem:$0x1FE00] =	vst v63  }
0x48: {  	_ =	swait.ge [sflag:s26], $0x2000  }
0x49: {  	[sflag:s26] =	ssyncset.done $0x0  }
0x4a: {  	s23 =	rddreg [dreg:$0xd];
	[sflag:s26] =	ssyncadd.s32 $0xFFFFE000  }
0x4b: {  	[spmem:s23] =	stream.linear.scatter [tilespmem:s25], [sflag:$0x5], $0x2000, $0x38;
	[tilespmem:$0x1FE00] =	vst v63  }
0x4c: {  	_ =	swait.ge [sflag:s26], $0x2000  }
0x4d: {  	[sflag:s26] =	ssyncset.done $0x0  }
0x4e: {  	s22 =	rddreg [dreg:$0xe];
	[sflag:s26] =	ssyncadd.s32 $0xFFFFE000  }
0x4f: {  	[spmem:s22] =	stream.linear.scatter [tilespmem:s25], [sflag:$0x5], $0x2000, $0x38;
	[tilespmem:$0x1FE00] =	vst v63  }
0x50: {  	_ =	swait.ge [sflag:s26], $0x2000  }
0x51: {  	[sflag:s26] =	ssyncset.done $0x0  }
0x52: {  	s23 =	rddreg [dreg:$0xf];
	[sflag:s26] =	ssyncadd.s32 $0xFFFFE000  }
0x53: {  	[spmem:s23] =	stream.linear.scatter [tilespmem:s25], [sflag:$0x5], $0x2000, $0x38;
	[tilespmem:$0x1FE00] =	vst v63  }
0x54: {  	_ =	swait.ge [sflag:s26], $0x2000  }
0x55: {  	[sflag:s26] =	ssyncset.done $0x0  }
0x56: {  	s22 =	rddreg [dreg:$0x10];
	[sflag:s26] =	ssyncadd.s32 $0xFFFFE000  }
0x57: {  	[spmem:s22] =	stream.linear.scatter [tilespmem:s25], [sflag:$0x5], $0x2000, $0x38;
	[tilespmem:$0x1FE00] =	vst v63  }
0x58: {  	_ =	swait.ge [sflag:s26], $0x2000  }
0x59: {  	[sflag:s26] =	ssyncset.done $0x0  }
0x5a: {  	s23 =	rddreg [dreg:$0x11];
	[sflag:s26] =	ssyncadd.s32 $0xFFFFE000  }
0x5b: {  	[spmem:s23] =	stream.linear.scatter [tilespmem:s25], [sflag:$0x5], $0x2000, $0x38;
	[tilespmem:$0x1FE00] =	vst v63  }
0x5c: {  	_ =	swait.ge [sflag:s26], $0x2000  }
0x5d: {  	[sflag:s26] =	ssyncset.done $0x0  }
0x5e: {  	s22 =	rddreg [dreg:$0x12];
	[sflag:s26] =	ssyncadd.s32 $0xFFFFE000  }
0x5f: {  	[spmem:s22] =	stream.linear.scatter [tilespmem:s25], [sflag:$0x5], $0x2000, $0x38;
	[tilespmem:$0x1FE00] =	vst v63  }
0x60: {  	_ =	swait.ge [sflag:s26], $0x2000  }
0x61: {  	[sflag:s26] =	ssyncset.done $0x0  }
0x62: {  	s23 =	rddreg [dreg:$0x13];
	[sflag:s26] =	ssyncadd.s32 $0xFFFFE000  }
0x63: {  	[spmem:s23] =	stream.linear.scatter [tilespmem:s25], [sflag:$0x5], $0x2000, $0x38;
	[tilespmem:$0x1FE00] =	vst v63  }
0x64: {  	_ =	swait.ge [sflag:s26], $0x2000  }
0x65: {  	[sflag:s26] =	ssyncset.done $0x0  }
0x66: {  	s22 =	rddreg [dreg:$0x14];
	[sflag:s26] =	ssyncadd.s32 $0xFFFFE000  }
0x67: {  	[spmem:s22] =	stream.linear.scatter [tilespmem:s25], [sflag:$0x5], $0x2000, $0x38;
	[tilespmem:$0x1FE00] =	vst v63  }
0x68: {  	_ =	swait.ge [sflag:s26], $0x2000  }
0x69: {  	[sflag:s26] =	ssyncset.done $0x0  }
0x6a: {  	s23 =	rddreg [dreg:$0x15];
	[sflag:s26] =	ssyncadd.s32 $0xFFFFE000  }
0x6b: {  	[spmem:s23] =	stream.linear.scatter [tilespmem:s25], [sflag:$0x5], $0x1600, $0x38;
	[tilespmem:$0x1FE00] =	vst v63  }
.Ltmp2:
0x6c: {  	_ =	swait.ge [sflag:s26], $0x1600;
	(pc) =	sbr.rel @p0 .LBB2_5-.Ltmp2, $3  }
0x6d: {  	[sflag:s26] =	ssyncset.done $0x0  }
0x6e: {  	[sflag:s26] =	ssyncadd.s32 $0xFFFFEA00  }
0x6f: {  	[bflag:$0x0] =	sbarrier.arrive $0xFFFF;
	_ =	sdelay $0x1  }
0x70: {  	s23 =	rddreg [dreg:$0x5]  }
0x71: {  	s23 =	sadd.s32 $0x0, s23  }
0x72: {  	[tilespmem:s28], [sflag:$0x5] =	stream.linear.gather [hbm4b:s23+s4], $0x400, $0x38;
	[tilespmem:$0x1FE00] =	vst v63  }
0x73: {  	_ =	swait.ge [sflag:s26], $0x400  }
0x74: {  	[sflag:s26] =	ssyncset.done $0x0  }
0x75: {  	s22 =	sadd.s32 $0x0, s24;
	[sflag:s26] =	ssyncadd.s32 $0xFFFFFC00  }
0x76: {  	[tilespmem:s29], [sflag:$0x5] =	stream.linear.gather [hbm4b:s22+s4], $0x400, $0x38;
	[tilespmem:$0x1FE00] =	vst v63  }
0x77: {  	_ =	swait.ge [sflag:s26], $0x400  }
0x78: {  	[sflag:s26] =	ssyncset.done $0x0  }
0x79: {  	[sflag:s26] =	ssyncadd.s32 $0xFFFFFC00  }
0x7a: {  	[tilespmem:s25], [sflag:$0x1] =	stream.indirect.gather [hbm4b:s6+s30], $0x40, s28, s30, $0xb8;
	[tilespmem:$0x1FE00] =	vst v63  }
0x7b: {  	_ = 	snop  }
0x7c: {  	[tilespmem:s0], [sflag:$0x2] =	stream.indirect.gather [hbm4b:s6+s30], $0x40, s31, s30, $0xb8;
	[tilespmem:$0x1FE00] =	vst v63  }
0x7d: {  	_ =	swait.ge [sflag:s1], $0x2000  }
0x7e: {  	[sflag:s1] =	ssyncset.done $0x0  }
0x7f: {  	[sflag:s1] =	ssyncadd.s32 $0xFFFFE000  }
0x80: {  	[spmem:s2] =	stream.indirect.scatter.add.f32 [tilespmem:s25], [sflag:$0x3], $0x40, s29, s30, $0xb8;
	[tilespmem:$0x1FE00] =	vst v63  }
0x81: {  	_ =	swait.ge [sflag:s7], $0x2000  }
0x82: {  	[sflag:s7] =	ssyncset.done $0x0  }
0x83: {  	[sflag:s7] =	ssyncadd.s32 $0xFFFFE000  }
0x84: {  	[tilespmem:s25], [sflag:$0x1] =	stream.indirect.gather [hbm4b:s6+s30], $0x40, s3, s30, $0xb8;
	[tilespmem:$0x1FE00] =	vst v63  }
0x85: {  	_ =	swait.ge [sflag:s5], $0x2000  }
0x86: {  	[sflag:s5] =	ssyncset.done $0x0  }
0x87: {  	[sflag:s5] =	ssyncadd.s32 $0xFFFFE000  }
0x88: {  	[spmem:s2] =	stream.indirect.scatter.add.f32 [tilespmem:s0], [sflag:$0x4], $0x40, s9, s30, $0xb8;
	[tilespmem:$0x1FE00] =	vst v63  }
0x89: {  	_ =	swait.ge [sflag:s10], $0x2000  }
0x8a: {  	[sflag:s10] =	ssyncset.done $0x0  }
0x8b: {  	[sflag:s10] =	ssyncadd.s32 $0xFFFFE000  }
0x8c: {  	[tilespmem:s0], [sflag:$0x2] =	stream.indirect.gather [hbm4b:s6+s30], $0x40, s11, s30, $0xb8;
	[tilespmem:$0x1FE00] =	vst v63  }
0x8d: {  	_ =	swait.ge [sflag:s1], $0x2000  }
0x8e: {  	[sflag:s1] =	ssyncset.done $0x0  }
0x8f: {  	[sflag:s1] =	ssyncadd.s32 $0xFFFFE000  }
0x90: {  	[spmem:s2] =	stream.indirect.scatter.add.f32 [tilespmem:s25], [sflag:$0x3], $0x40, s12, s30, $0xb8;
	[tilespmem:$0x1FE00] =	vst v63  }
0x91: {  	_ =	swait.ge [sflag:s7], $0x2000  }
0x92: {  	[sflag:s7] =	ssyncset.done $0x0  }
0x93: {  	[sflag:s7] =	ssyncadd.s32 $0xFFFFE000  }
0x94: {  	[tilespmem:s25], [sflag:$0x1] =	stream.indirect.gather [hbm4b:s6+s30], $0x40, s13, s30, $0xb8;
	[tilespmem:$0x1FE00] =	vst v63  }
0x95: {  	_ =	swait.ge [sflag:s5], $0x2000  }
0x96: {  	[sflag:s5] =	ssyncset.done $0x0  }
0x97: {  	[sflag:s5] =	ssyncadd.s32 $0xFFFFE000  }
0x98: {  	[spmem:s2] =	stream.indirect.scatter.add.f32 [tilespmem:s0], [sflag:$0x4], $0x40, s14, s30, $0xb8;
	[tilespmem:$0x1FE00] =	vst v63  }
0x99: {  	_ =	swait.ge [sflag:s10], $0x2000  }
0x9a: {  	[sflag:s10] =	ssyncset.done $0x0  }
0x9b: {  	[sflag:s10] =	ssyncadd.s32 $0xFFFFE000  }
0x9c: {  	[tilespmem:s0], [sflag:$0x2] =	stream.indirect.gather [hbm4b:s6+s30], $0x40, s15, s30, $0xb8;
	[tilespmem:$0x1FE00] =	vst v63  }
0x9d: {  	_ =	swait.ge [sflag:s1], $0x2000  }
0x9e: {  	[sflag:s1] =	ssyncset.done $0x0  }
0x9f: {  	[sflag:s1] =	ssyncadd.s32 $0xFFFFE000  }
0xa0: {  	[spmem:s2] =	stream.indirect.scatter.add.f32 [tilespmem:s25], [sflag:$0x3], $0x40, s16, s30, $0xb8;
	[tilespmem:$0x1FE00] =	vst v63  }
0xa1: {  	_ =	swait.ge [sflag:s7], $0x2000  }
0xa2: {  	[sflag:s7] =	ssyncset.done $0x0  }
0xa3: {  	[sflag:s7] =	ssyncadd.s32 $0xFFFFE000  }
0xa4: {  	[tilespmem:s25], [sflag:$0x1] =	stream.indirect.gather [hbm4b:s6+s30], $0x40, s17, s30, $0xb8;
	[tilespmem:$0x1FE00] =	vst v63  }
0xa5: {  	_ =	swait.ge [sflag:s5], $0x2000  }
0xa6: {  	[sflag:s5] =	ssyncset.done $0x0  }
0xa7: {  	[sflag:s5] =	ssyncadd.s32 $0xFFFFE000  }
0xa8: {  	[spmem:s2] =	stream.indirect.scatter.add.f32 [tilespmem:s0], [sflag:$0x4], $0x40, s18, s30, $0xb8;
	[tilespmem:$0x1FE00] =	vst v63  }
0xa9: {  	_ =	swait.ge [sflag:s10], $0x2000  }
0xaa: {  	[sflag:s10] =	ssyncset.done $0x0  }
0xab: {  	[sflag:s10] =	ssyncadd.s32 $0xFFFFE000  }
0xac: {  	[tilespmem:s0], [sflag:$0x2] =	stream.indirect.gather [hbm4b:s6+s30], $0x40, s19, s30, $0xb8;
	[tilespmem:$0x1FE00] =	vst v63  }
0xad: {  	_ =	swait.ge [sflag:s1], $0x2000  }
0xae: {  	[sflag:s1] =	ssyncset.done $0x0  }
0xaf: {  	[sflag:s1] =	ssyncadd.s32 $0xFFFFE000  }
0xb0: {  	[spmem:s2] =	stream.indirect.scatter.add.f32 [tilespmem:s25], [sflag:$0x3], $0x40, s20, s30, $0xb8;
	[tilespmem:$0x1FE00] =	vst v63  }
0xb1: {  	_ =	swait.ge [sflag:s5], $0x2000  }
0xb2: {  	[sflag:s5] =	ssyncset.done $0x0  }
0xb3: {  	[sflag:s5] =	ssyncadd.s32 $0xFFFFE000  }
0xb4: {  	[spmem:s2] =	stream.indirect.scatter.add.f32 [tilespmem:s0], [sflag:$0x4], $0x40, s21, s30, $0xb8;
	[tilespmem:$0x1FE00] =	vst v63  }
0xb5: {  	_ =	swait.ge [sflag:s7], $0x2000  }
0xb6: {  	[sflag:s7] =	ssyncset.done $0x0  }
0xb7: {  	[sflag:s7] =	ssyncadd.s32 $0xFFFFE000  }
0xb8: {  	_ =	swait.ge [sflag:s10], $0x2000  }
0xb9: {  	s23 =	simm.s32 $0x80;
	[sflag:s10] =	ssyncset.done $0x0  }
.LBB2_3:
0xba: {  	s8 =	rddreg [dreg:$0x5];
	s22 =	smov.u32 s23  }
0xbb: {  	[sflag:s10] =	ssyncadd.s32 $0xFFFFE000;
	s8 =	sadd.s32 s22, s8  }
0xbc: {  	[tilespmem:s28], [sflag:$0x5] =	stream.linear.gather [hbm4b:s8+s4], $0x400, $0x38;
	[tilespmem:$0x1FE00] =	vst v63  }
0xbd: {  	_ =	swait.ge [sflag:s26], $0x400  }
0xbe: {  	[sflag:s26] =	ssyncset.done $0x0  }
0xbf: {  	s22 =	sadd.s32 s22, s24;
	[sflag:s26] =	ssyncadd.s32 $0xFFFFFC00  }
0xc0: {  	[tilespmem:s29], [sflag:$0x5] =	stream.linear.gather [hbm4b:s22+s4], $0x400, $0x38;
	[tilespmem:$0x1FE00] =	vst v63  }
0xc1: {  	_ =	swait.ge [sflag:s26], $0x400  }
0xc2: {  	[sflag:s26] =	ssyncset.done $0x0  }
0xc3: {  	[sflag:s26] =	ssyncadd.s32 $0xFFFFFC00  }
0xc4: {  	[tilespmem:s25], [sflag:$0x1] =	stream.indirect.gather [hbm4b:s6+s30], $0x40, s28, s30, $0xb8;
	[tilespmem:$0x1FE00] =	vst v63  }
0xc5: {  	_ = 	snop  }
0xc6: {  	[tilespmem:s0], [sflag:$0x2] =	stream.indirect.gather [hbm4b:s6+s30], $0x40, s31, s30, $0xb8;
	[tilespmem:$0x1FE00] =	vst v63  }
0xc7: {  	_ =	swait.ge [sflag:s1], $0x2000  }
0xc8: {  	[sflag:s1] =	ssyncset.done $0x0  }
0xc9: {  	[sflag:s1] =	ssyncadd.s32 $0xFFFFE000  }
0xca: {  	[spmem:s2] =	stream.indirect.scatter.add.f32 [tilespmem:s25], [sflag:$0x3], $0x40, s29, s30, $0xb8;
	[tilespmem:$0x1FE00] =	vst v63  }
0xcb: {  	_ =	swait.ge [sflag:s7], $0x2000  }
0xcc: {  	[sflag:s7] =	ssyncset.done $0x0  }
0xcd: {  	[sflag:s7] =	ssyncadd.s32 $0xFFFFE000  }
0xce: {  	[tilespmem:s25], [sflag:$0x1] =	stream.indirect.gather [hbm4b:s6+s30], $0x40, s3, s30, $0xb8;
	[tilespmem:$0x1FE00] =	vst v63  }
0xcf: {  	_ =	swait.ge [sflag:s5], $0x2000  }
0xd0: {  	[sflag:s5] =	ssyncset.done $0x0  }
0xd1: {  	[sflag:s5] =	ssyncadd.s32 $0xFFFFE000  }
0xd2: {  	[spmem:s2] =	stream.indirect.scatter.add.f32 [tilespmem:s0], [sflag:$0x4], $0x40, s9, s30, $0xb8;
	[tilespmem:$0x1FE00] =	vst v63  }
0xd3: {  	_ =	swait.ge [sflag:s10], $0x2000  }
0xd4: {  	[sflag:s10] =	ssyncset.done $0x0  }
0xd5: {  	[sflag:s10] =	ssyncadd.s32 $0xFFFFE000  }
0xd6: {  	[tilespmem:s0], [sflag:$0x2] =	stream.indirect.gather [hbm4b:s6+s30], $0x40, s11, s30, $0xb8;
	[tilespmem:$0x1FE00] =	vst v63  }
0xd7: {  	_ =	swait.ge [sflag:s1], $0x2000  }
0xd8: {  	[sflag:s1] =	ssyncset.done $0x0  }
0xd9: {  	[sflag:s1] =	ssyncadd.s32 $0xFFFFE000  }
0xda: {  	[spmem:s2] =	stream.indirect.scatter.add.f32 [tilespmem:s25], [sflag:$0x3], $0x40, s12, s30, $0xb8;
	[tilespmem:$0x1FE00] =	vst v63  }
0xdb: {  	_ =	swait.ge [sflag:s7], $0x2000  }
0xdc: {  	[sflag:s7] =	ssyncset.done $0x0  }
0xdd: {  	[sflag:s7] =	ssyncadd.s32 $0xFFFFE000  }
0xde: {  	[tilespmem:s25], [sflag:$0x1] =	stream.indirect.gather [hbm4b:s6+s30], $0x40, s13, s30, $0xb8;
	[tilespmem:$0x1FE00] =	vst v63  }
0xdf: {  	_ =	swait.ge [sflag:s5], $0x2000  }
0xe0: {  	[sflag:s5] =	ssyncset.done $0x0  }
0xe1: {  	[sflag:s5] =	ssyncadd.s32 $0xFFFFE000  }
0xe2: {  	[spmem:s2] =	stream.indirect.scatter.add.f32 [tilespmem:s0], [sflag:$0x4], $0x40, s14, s30, $0xb8;
	[tilespmem:$0x1FE00] =	vst v63  }
0xe3: {  	_ =	swait.ge [sflag:s10], $0x2000  }
0xe4: {  	[sflag:s10] =	ssyncset.done $0x0  }
0xe5: {  	[sflag:s10] =	ssyncadd.s32 $0xFFFFE000  }
0xe6: {  	[tilespmem:s0], [sflag:$0x2] =	stream.indirect.gather [hbm4b:s6+s30], $0x40, s15, s30, $0xb8;
	[tilespmem:$0x1FE00] =	vst v63  }
0xe7: {  	_ =	swait.ge [sflag:s1], $0x2000  }
0xe8: {  	[sflag:s1] =	ssyncset.done $0x0  }
0xe9: {  	[sflag:s1] =	ssyncadd.s32 $0xFFFFE000  }
0xea: {  	[spmem:s2] =	stream.indirect.scatter.add.f32 [tilespmem:s25], [sflag:$0x3], $0x40, s16, s30, $0xb8;
	[tilespmem:$0x1FE00] =	vst v63  }
0xeb: {  	_ =	swait.ge [sflag:s7], $0x2000  }
0xec: {  	[sflag:s7] =	ssyncset.done $0x0  }
0xed: {  	[sflag:s7] =	ssyncadd.s32 $0xFFFFE000  }
0xee: {  	[tilespmem:s25], [sflag:$0x1] =	stream.indirect.gather [hbm4b:s6+s30], $0x40, s17, s30, $0xb8;
	[tilespmem:$0x1FE00] =	vst v63  }
0xef: {  	_ =	swait.ge [sflag:s5], $0x2000  }
0xf0: {  	[sflag:s5] =	ssyncset.done $0x0  }
0xf1: {  	[sflag:s5] =	ssyncadd.s32 $0xFFFFE000  }
0xf2: {  	[spmem:s2] =	stream.indirect.scatter.add.f32 [tilespmem:s0], [sflag:$0x4], $0x40, s18, s30, $0xb8;
	[tilespmem:$0x1FE00] =	vst v63  }
0xf3: {  	_ =	swait.ge [sflag:s10], $0x2000  }
0xf4: {  	[sflag:s10] =	ssyncset.done $0x0  }
0xf5: {  	[sflag:s10] =	ssyncadd.s32 $0xFFFFE000  }
0xf6: {  	[tilespmem:s0], [sflag:$0x2] =	stream.indirect.gather [hbm4b:s6+s30], $0x40, s19, s30, $0xb8;
	[tilespmem:$0x1FE00] =	vst v63  }
0xf7: {  	_ =	swait.ge [sflag:s1], $0x2000  }
0xf8: {  	[sflag:s1] =	ssyncset.done $0x0  }
0xf9: {  	[sflag:s1] =	ssyncadd.s32 $0xFFFFE000  }
0xfa: {  	[spmem:s2] =	stream.indirect.scatter.add.f32 [tilespmem:s25], [sflag:$0x3], $0x40, s20, s30, $0xb8;
	[tilespmem:$0x1FE00] =	vst v63  }
0xfb: {  	_ =	swait.ge [sflag:s5], $0x2000  }
0xfc: {  	[sflag:s5] =	ssyncset.done $0x0  }
0xfd: {  	p1 =	seq.s32 s23, $0x780;
	[sflag:s5] =	ssyncadd.s32 $0xFFFFE000  }
0xfe: {  	[spmem:s2] =	stream.indirect.scatter.add.f32 [tilespmem:s0], [sflag:$0x4], $0x40, s21, s30, $0xb8;
	[tilespmem:$0x1FE00] =	vst v63  }
.Ltmp3:
0xff: {  	_ =	swait.ge [sflag:s7], $0x2000;
	(pc) =	sbr.rel @!p1 .LBB2_3-.Ltmp3, $4  }
0x100: {  	[sflag:s7] =	ssyncset.done $0x0  }
0x101: {  	[sflag:s7] =	ssyncadd.s32 $0xFFFFE000  }
0x102: {  	_ =	swait.ge [sflag:s10], $0x2000  }
0x103: {  	s23 =	sadd.s32 $0x80, s23;
	[sflag:s10] =	ssyncset.done $0x0  }
.Ltmp4:
0x104: {  	(pc) =	sbr.rel .LBB2_8-.Ltmp4, $3  }
0x105: {  	_ =	sdelay $0x1  }
0x106: {  	[sflag:s10] =	ssyncadd.s32 $0xFFFFE000  }
0x107: {  	s23 =	rddreg [dreg:$0x1]  }
.LBB2_5:
0x108: {  	s8 =	rddreg [dreg:$0x4]  }
0x109: {  	s8 =	sadd.s32 $0x0, s8  }
0x10a: {  	[tilespmem:s28], [sflag:$0x5] =	stream.linear.gather [hbm4b:s8+s4], $0x400, $0x38;
	[tilespmem:$0x1FE00] =	vst v63  }
0x10b: {  	_ =	swait.ge [sflag:s26], $0x400  }
0x10c: {  	[sflag:s26] =	ssyncset.done $0x0  }
0x10d: {  	s23 =	sadd.s32 $0x0, s24;
	[sflag:s26] =	ssyncadd.s32 $0xFFFFFC00  }
0x10e: {  	[tilespmem:s29], [sflag:$0x5] =	stream.linear.gather [hbm4b:s23+s4], $0x400, $0x38;
	[tilespmem:$0x1FE00] =	vst v63  }
0x10f: {  	_ =	swait.ge [sflag:s26], $0x400  }
0x110: {  	[sflag:s26] =	ssyncset.done $0x0  }
0x111: {  	[sflag:s26] =	ssyncadd.s32 $0xFFFFFC00  }
0x112: {  	[tilespmem:s25], [sflag:$0x1] =	stream.indirect.gather [hbm4b:s6+s30], $0x40, s28, s30, $0xb8;
	[tilespmem:$0x1FE00] =	vst v63  }
0x113: {  	_ = 	snop  }
0x114: {  	[tilespmem:s0], [sflag:$0x2] =	stream.indirect.gather [hbm4b:s6+s30], $0x40, s31, s30, $0xb8;
	[tilespmem:$0x1FE00] =	vst v63  }
0x115: {  	_ =	swait.ge [sflag:s1], $0x2000  }
0x116: {  	[sflag:s1] =	ssyncset.done $0x0  }
0x117: {  	[sflag:s1] =	ssyncadd.s32 $0xFFFFE000  }
0x118: {  	[spmem:s2] =	stream.indirect.scatter.add.f32 [tilespmem:s25], [sflag:$0x3], $0x40, s29, s30, $0xb8;
	[tilespmem:$0x1FE00] =	vst v63  }
0x119: {  	_ =	swait.ge [sflag:s7], $0x2000  }
0x11a: {  	[sflag:s7] =	ssyncset.done $0x0  }
0x11b: {  	[sflag:s7] =	ssyncadd.s32 $0xFFFFE000  }
0x11c: {  	[tilespmem:s25], [sflag:$0x1] =	stream.indirect.gather [hbm4b:s6+s30], $0x40, s3, s30, $0xb8;
	[tilespmem:$0x1FE00] =	vst v63  }
0x11d: {  	_ =	swait.ge [sflag:s5], $0x2000  }
0x11e: {  	[sflag:s5] =	ssyncset.done $0x0  }
0x11f: {  	[sflag:s5] =	ssyncadd.s32 $0xFFFFE000  }
0x120: {  	[spmem:s2] =	stream.indirect.scatter.add.f32 [tilespmem:s0], [sflag:$0x4], $0x40, s9, s30, $0xb8;
	[tilespmem:$0x1FE00] =	vst v63  }
0x121: {  	_ =	swait.ge [sflag:s10], $0x2000  }
0x122: {  	[sflag:s10] =	ssyncset.done $0x0  }
0x123: {  	[sflag:s10] =	ssyncadd.s32 $0xFFFFE000  }
0x124: {  	[tilespmem:s0], [sflag:$0x2] =	stream.indirect.gather [hbm4b:s6+s30], $0x40, s11, s30, $0xb8;
	[tilespmem:$0x1FE00] =	vst v63  }
0x125: {  	_ =	swait.ge [sflag:s1], $0x2000  }
0x126: {  	[sflag:s1] =	ssyncset.done $0x0  }
0x127: {  	[sflag:s1] =	ssyncadd.s32 $0xFFFFE000  }
0x128: {  	[spmem:s2] =	stream.indirect.scatter.add.f32 [tilespmem:s25], [sflag:$0x3], $0x40, s12, s30, $0xb8;
	[tilespmem:$0x1FE00] =	vst v63  }
0x129: {  	_ =	swait.ge [sflag:s7], $0x2000  }
0x12a: {  	[sflag:s7] =	ssyncset.done $0x0  }
0x12b: {  	[sflag:s7] =	ssyncadd.s32 $0xFFFFE000  }
0x12c: {  	[tilespmem:s25], [sflag:$0x1] =	stream.indirect.gather [hbm4b:s6+s30], $0x40, s13, s30, $0xb8;
	[tilespmem:$0x1FE00] =	vst v63  }
0x12d: {  	_ =	swait.ge [sflag:s5], $0x2000  }
0x12e: {  	[sflag:s5] =	ssyncset.done $0x0  }
0x12f: {  	[sflag:s5] =	ssyncadd.s32 $0xFFFFE000  }
0x130: {  	[spmem:s2] =	stream.indirect.scatter.add.f32 [tilespmem:s0], [sflag:$0x4], $0x40, s14, s30, $0xb8;
	[tilespmem:$0x1FE00] =	vst v63  }
0x131: {  	_ =	swait.ge [sflag:s10], $0x2000  }
0x132: {  	[sflag:s10] =	ssyncset.done $0x0  }
0x133: {  	[sflag:s10] =	ssyncadd.s32 $0xFFFFE000  }
0x134: {  	[tilespmem:s0], [sflag:$0x2] =	stream.indirect.gather [hbm4b:s6+s30], $0x40, s15, s30, $0xb8;
	[tilespmem:$0x1FE00] =	vst v63  }
0x135: {  	_ =	swait.ge [sflag:s1], $0x2000  }
0x136: {  	[sflag:s1] =	ssyncset.done $0x0  }
0x137: {  	[sflag:s1] =	ssyncadd.s32 $0xFFFFE000  }
0x138: {  	[spmem:s2] =	stream.indirect.scatter.add.f32 [tilespmem:s25], [sflag:$0x3], $0x40, s16, s30, $0xb8;
	[tilespmem:$0x1FE00] =	vst v63  }
0x139: {  	_ =	swait.ge [sflag:s7], $0x2000  }
0x13a: {  	[sflag:s7] =	ssyncset.done $0x0  }
0x13b: {  	[sflag:s7] =	ssyncadd.s32 $0xFFFFE000  }
0x13c: {  	[tilespmem:s25], [sflag:$0x1] =	stream.indirect.gather [hbm4b:s6+s30], $0x40, s17, s30, $0xb8;
	[tilespmem:$0x1FE00] =	vst v63  }
0x13d: {  	_ =	swait.ge [sflag:s5], $0x2000  }
0x13e: {  	[sflag:s5] =	ssyncset.done $0x0  }
0x13f: {  	[sflag:s5] =	ssyncadd.s32 $0xFFFFE000  }
0x140: {  	[spmem:s2] =	stream.indirect.scatter.add.f32 [tilespmem:s0], [sflag:$0x4], $0x40, s18, s30, $0xb8;
	[tilespmem:$0x1FE00] =	vst v63  }
0x141: {  	_ =	swait.ge [sflag:s10], $0x2000  }
0x142: {  	[sflag:s10] =	ssyncset.done $0x0  }
0x143: {  	[sflag:s10] =	ssyncadd.s32 $0xFFFFE000  }
0x144: {  	[tilespmem:s0], [sflag:$0x2] =	stream.indirect.gather [hbm4b:s6+s30], $0x40, s19, s30, $0xb8;
	[tilespmem:$0x1FE00] =	vst v63  }
0x145: {  	_ =	swait.ge [sflag:s1], $0x2000  }
0x146: {  	[sflag:s1] =	ssyncset.done $0x0  }
0x147: {  	[sflag:s1] =	ssyncadd.s32 $0xFFFFE000  }
0x148: {  	[spmem:s2] =	stream.indirect.scatter.add.f32 [tilespmem:s25], [sflag:$0x3], $0x40, s20, s30, $0xb8;
	[tilespmem:$0x1FE00] =	vst v63  }
0x149: {  	_ =	swait.ge [sflag:s5], $0x2000  }
0x14a: {  	[sflag:s5] =	ssyncset.done $0x0  }
0x14b: {  	[sflag:s5] =	ssyncadd.s32 $0xFFFFE000  }
0x14c: {  	[spmem:s2] =	stream.indirect.scatter.add.f32 [tilespmem:s0], [sflag:$0x4], $0x40, s21, s30, $0xb8;
	[tilespmem:$0x1FE00] =	vst v63  }
0x14d: {  	_ =	swait.ge [sflag:s7], $0x2000  }
0x14e: {  	[sflag:s7] =	ssyncset.done $0x0  }
0x14f: {  	[sflag:s7] =	ssyncadd.s32 $0xFFFFE000  }
0x150: {  	_ =	swait.ge [sflag:s10], $0x2000  }
0x151: {  	s23 =	simm.s32 $0x80;
	[sflag:s10] =	ssyncset.done $0x0  }
.LBB2_6:
0x152: {  	s8 =	rddreg [dreg:$0x4];
	s22 =	smov.u32 s23  }
0x153: {  	[sflag:s10] =	ssyncadd.s32 $0xFFFFE000;
	s8 =	sadd.s32 s22, s8  }
0x154: {  	[tilespmem:s28], [sflag:$0x5] =	stream.linear.gather [hbm4b:s8+s4], $0x400, $0x38;
	[tilespmem:$0x1FE00] =	vst v63  }
0x155: {  	_ =	swait.ge [sflag:s26], $0x400  }
0x156: {  	[sflag:s26] =	ssyncset.done $0x0  }
0x157: {  	s22 =	sadd.s32 s22, s24;
	[sflag:s26] =	ssyncadd.s32 $0xFFFFFC00  }
0x158: {  	[tilespmem:s29], [sflag:$0x5] =	stream.linear.gather [hbm4b:s22+s4], $0x400, $0x38;
	[tilespmem:$0x1FE00] =	vst v63  }
0x159: {  	_ =	swait.ge [sflag:s26], $0x400  }
0x15a: {  	[sflag:s26] =	ssyncset.done $0x0  }
0x15b: {  	[sflag:s26] =	ssyncadd.s32 $0xFFFFFC00  }
0x15c: {  	[tilespmem:s25], [sflag:$0x1] =	stream.indirect.gather [hbm4b:s6+s30], $0x40, s28, s30, $0xb8;
	[tilespmem:$0x1FE00] =	vst v63  }
0x15d: {  	_ = 	snop  }
0x15e: {  	[tilespmem:s0], [sflag:$0x2] =	stream.indirect.gather [hbm4b:s6+s30], $0x40, s31, s30, $0xb8;
	[tilespmem:$0x1FE00] =	vst v63  }
0x15f: {  	_ =	swait.ge [sflag:s1], $0x2000  }
0x160: {  	[sflag:s1] =	ssyncset.done $0x0  }
0x161: {  	[sflag:s1] =	ssyncadd.s32 $0xFFFFE000  }
0x162: {  	[spmem:s2] =	stream.indirect.scatter.add.f32 [tilespmem:s25], [sflag:$0x3], $0x40, s29, s30, $0xb8;
	[tilespmem:$0x1FE00] =	vst v63  }
0x163: {  	_ =	swait.ge [sflag:s7], $0x2000  }
0x164: {  	[sflag:s7] =	ssyncset.done $0x0  }
0x165: {  	[sflag:s7] =	ssyncadd.s32 $0xFFFFE000  }
0x166: {  	[tilespmem:s25], [sflag:$0x1] =	stream.indirect.gather [hbm4b:s6+s30], $0x40, s3, s30, $0xb8;
	[tilespmem:$0x1FE00] =	vst v63  }
0x167: {  	_ =	swait.ge [sflag:s5], $0x2000  }
0x168: {  	[sflag:s5] =	ssyncset.done $0x0  }
0x169: {  	[sflag:s5] =	ssyncadd.s32 $0xFFFFE000  }
0x16a: {  	[spmem:s2] =	stream.indirect.scatter.add.f32 [tilespmem:s0], [sflag:$0x4], $0x40, s9, s30, $0xb8;
	[tilespmem:$0x1FE00] =	vst v63  }
0x16b: {  	_ =	swait.ge [sflag:s10], $0x2000  }
0x16c: {  	[sflag:s10] =	ssyncset.done $0x0  }
0x16d: {  	[sflag:s10] =	ssyncadd.s32 $0xFFFFE000  }
0x16e: {  	[tilespmem:s0], [sflag:$0x2] =	stream.indirect.gather [hbm4b:s6+s30], $0x40, s11, s30, $0xb8;
	[tilespmem:$0x1FE00] =	vst v63  }
0x16f: {  	_ =	swait.ge [sflag:s1], $0x2000  }
0x170: {  	[sflag:s1] =	ssyncset.done $0x0  }
0x171: {  	[sflag:s1] =	ssyncadd.s32 $0xFFFFE000  }
0x172: {  	[spmem:s2] =	stream.indirect.scatter.add.f32 [tilespmem:s25], [sflag:$0x3], $0x40, s12, s30, $0xb8;
	[tilespmem:$0x1FE00] =	vst v63  }
0x173: {  	_ =	swait.ge [sflag:s7], $0x2000  }
0x174: {  	[sflag:s7] =	ssyncset.done $0x0  }
0x175: {  	[sflag:s7] =	ssyncadd.s32 $0xFFFFE000  }
0x176: {  	[tilespmem:s25], [sflag:$0x1] =	stream.indirect.gather [hbm4b:s6+s30], $0x40, s13, s30, $0xb8;
	[tilespmem:$0x1FE00] =	vst v63  }
0x177: {  	_ =	swait.ge [sflag:s5], $0x2000  }
0x178: {  	[sflag:s5] =	ssyncset.done $0x0  }
0x179: {  	[sflag:s5] =	ssyncadd.s32 $0xFFFFE000  }
0x17a: {  	[spmem:s2] =	stream.indirect.scatter.add.f32 [tilespmem:s0], [sflag:$0x4], $0x40, s14, s30, $0xb8;
	[tilespmem:$0x1FE00] =	vst v63  }
0x17b: {  	_ =	swait.ge [sflag:s10], $0x2000  }
0x17c: {  	[sflag:s10] =	ssyncset.done $0x0  }
0x17d: {  	[sflag:s10] =	ssyncadd.s32 $0xFFFFE000  }
0x17e: {  	[tilespmem:s0], [sflag:$0x2] =	stream.indirect.gather [hbm4b:s6+s30], $0x40, s15, s30, $0xb8;
	[tilespmem:$0x1FE00] =	vst v63  }
0x17f: {  	_ =	swait.ge [sflag:s1], $0x2000  }
0x180: {  	[sflag:s1] =	ssyncset.done $0x0  }
0x181: {  	[sflag:s1] =	ssyncadd.s32 $0xFFFFE000  }
0x182: {  	[spmem:s2] =	stream.indirect.scatter.add.f32 [tilespmem:s25], [sflag:$0x3], $0x40, s16, s30, $0xb8;
	[tilespmem:$0x1FE00] =	vst v63  }
0x183: {  	_ =	swait.ge [sflag:s7], $0x2000  }
0x184: {  	[sflag:s7] =	ssyncset.done $0x0  }
0x185: {  	[sflag:s7] =	ssyncadd.s32 $0xFFFFE000  }
0x186: {  	[tilespmem:s25], [sflag:$0x1] =	stream.indirect.gather [hbm4b:s6+s30], $0x40, s17, s30, $0xb8;
	[tilespmem:$0x1FE00] =	vst v63  }
0x187: {  	_ =	swait.ge [sflag:s5], $0x2000  }
0x188: {  	[sflag:s5] =	ssyncset.done $0x0  }
0x189: {  	[sflag:s5] =	ssyncadd.s32 $0xFFFFE000  }
0x18a: {  	[spmem:s2] =	stream.indirect.scatter.add.f32 [tilespmem:s0], [sflag:$0x4], $0x40, s18, s30, $0xb8;
	[tilespmem:$0x1FE00] =	vst v63  }
0x18b: {  	_ =	swait.ge [sflag:s10], $0x2000  }
0x18c: {  	[sflag:s10] =	ssyncset.done $0x0  }
0x18d: {  	[sflag:s10] =	ssyncadd.s32 $0xFFFFE000  }
0x18e: {  	[tilespmem:s0], [sflag:$0x2] =	stream.indirect.gather [hbm4b:s6+s30], $0x40, s19, s30, $0xb8;
	[tilespmem:$0x1FE00] =	vst v63  }
0x18f: {  	_ =	swait.ge [sflag:s1], $0x2000  }
0x190: {  	[sflag:s1] =	ssyncset.done $0x0  }
0x191: {  	[sflag:s1] =	ssyncadd.s32 $0xFFFFE000  }
0x192: {  	[spmem:s2] =	stream.indirect.scatter.add.f32 [tilespmem:s25], [sflag:$0x3], $0x40, s20, s30, $0xb8;
	[tilespmem:$0x1FE00] =	vst v63  }
0x193: {  	_ =	swait.ge [sflag:s5], $0x2000  }
0x194: {  	[sflag:s5] =	ssyncset.done $0x0  }
0x195: {  	p1 =	sne.s32 s23, $0x780;
	[sflag:s5] =	ssyncadd.s32 $0xFFFFE000  }
0x196: {  	[spmem:s2] =	stream.indirect.scatter.add.f32 [tilespmem:s0], [sflag:$0x4], $0x40, s21, s30, $0xb8;
	[tilespmem:$0x1FE00] =	vst v63  }
.Ltmp5:
0x197: {  	_ =	swait.ge [sflag:s7], $0x2000;
	(pc) =	sbr.rel @p1 .LBB2_6-.Ltmp5, $4  }
0x198: {  	[sflag:s7] =	ssyncset.done $0x0  }
0x199: {  	[sflag:s7] =	ssyncadd.s32 $0xFFFFE000  }
0x19a: {  	_ =	swait.ge [sflag:s10], $0x2000  }
0x19b: {  	s23 =	sadd.s32 $0x80, s23;
	[sflag:s10] =	ssyncset.done $0x0  }
.Ltmp6:
0x19c: {  	_ = 	snop;
	(pc) =	sbr.rel .LBB2_7-.Ltmp6, $1  }
0x19d: {  	_ =	sdelay $0x3  }
.LBB2_9:
0x19e: {  	_ =	sfence.sel $0x180000  }
0x19f: {  	[bflag:$0x0] =	sbarrier.arrive $0xFFFF  }
0x1a0: {  	_ =	strace $0x90000047  }
0x1a1: {  	s0 =	stileid.u32;
	[bflag:$0x2] =	sbarrier.arrive $0xFFFF  }
0x1a2: {  	p0 =	sne.s32 s0, $0x0;
	s0 =	rddreg [dreg:$0x3]  }
0x1a3: {  	s0 =	sadd.s32 @!p0 $0x100000, s0  }
0x1a4: {  	[sflag:s0] =	ssyncadd.tile.s32 @!p0 $0x1;
	_ =	shalt  }
.Lfunc_end2:
_tile_overlayer_lowered:
.L_overlay_start_2:
0x1a5: {  	(tag) =	ssettag $0x2  }
0x1a6: {  	s0 =	rddreg [dreg:$0x0];
	s2 =	stileid.u32  }
0x1a7: {  	s1 =	rddreg [dreg:$0x1];
	p0 =	sne.s32 s2, $0x0  }
0x1a8: {  	s3 =	rddreg [dreg:$0x2];
	[bflag:$0x3] =	sbarrier.arrive $0xFFFF;
	s2 =	simm.s32 @!p0 $0x1C05  }
0x1a9: {  	[timem:s3], [sflag:s2] =	dma.local @!p0 [hbm:s0], s1  }
0x1aa: {  	s0 =	simm.s32 @!p0 $0x5  }
0x1ab: {  	_ =	swait.ge @!p0 [sflag:s0], s1  }
0x1ac: {  	s1 =	ssub.s32 @!p0 $0x0, s1;
	[sflag:s0] =	ssyncset.done @!p0 $0x0  }
0x1ad: {  	[sflag:s0] =	ssyncadd.s32 @!p0 s1  }
0x1ae: {  	[bflag:$0x3] =	sbarrier.arrive $0xFFFF  }
0x1af: {  	_ =	shalt  }

</sc_bundles>
